<compile_context>
chip_gen: v7x
topology: tpu7x:2x2x1
jax: 0.10.2.dev20260603
libtpu: 0.0.44.dev20260713+nightly
codegen_flags: <defaults>
</compile_context>

<pallas_src>
import jax
import jax.numpy as jnp
from jax import lax
from jax.experimental import pallas as pl
from jax.experimental.pallas import tpu as pltpu, tpu_sc as plsc

D = 64
SCALE = 8.0

_info = plsc.get_sparse_core_info()
NC, NS, L = _info.num_cores, _info.num_subcores, _info.num_lanes
NW = NC * NS

NB = 16384
NS_TOK = 50
BW = NB // NW
CHUNK = 256
SUB = BW // CHUNK
NU = NS_TOK * SUB
NBUF = 2
NROUND = NU // NBUF


def _body(tab_hbm, xf_hbm, out_hbm, *s):
    idx_v = s[0:NBUF]
    ridx_v = s[NBUF:2 * NBUF]
    rows_v = s[2 * NBUF:3 * NBUF]
    obuf_v = s[3 * NBUF:4 * NBUF]
    gsem = s[4 * NBUF:5 * NBUF]
    osem = s[5 * NBUF:6 * NBUF]

    wid = lax.axis_index("s") * NC + lax.axis_index("c")
    b0w = wid * CHUNK

    iota = lax.iota(jnp.int32, L)

    def fetch(b, u):
        tok = u // SUB
        b0 = b0w + (u % SUB) * (CHUNK * NW)
        pltpu.sync_copy(xf_hbm.at[pl.ds(tok * NB + b0, CHUNK)], idx_v[b])

        def rr(t, _):
            v = idx_v[b][pl.ds(t * L, L)]
            ridx_v[b][pl.ds(t * L, L)] = lax.shift_right_logical(v, 1)
            return 0

        lax.fori_loop(0, CHUNK // L, rr, 0, unroll=4)
        pltpu.async_copy(tab_hbm.at[ridx_v[b]], rows_v[b], gsem[b])

    def wait_gather(b):
        pltpu.make_async_copy(tab_hbm.at[ridx_v[b]], rows_v[b], gsem[b]).wait()

    def tscale(b, ob):
        def per_blk(t, _):
            bvec = idx_v[b][pl.ds(t * L, L)]
            par16 = (bvec & 1) * D
            blk16 = iota + t * L

            @plsc.parallel_loop(0, D, unroll=8)
            def per_d(d0):
                dvec = (iota + d0) & (D - 1)
                v = plsc.load_gather(rows_v[b], [blk16, par16 + dvec])
                plsc.store_scatter(obuf_v[ob], [dvec, blk16], v * SCALE)

            return 0

        lax.fori_loop(0, CHUNK // L, per_blk, 0)

    def start_out(ob, u):
        tok = u // SUB
        b0 = b0w + (u % SUB) * (CHUNK * NW)
        pltpu.async_copy(
            obuf_v[ob], out_hbm.at[tok, :, pl.ds(b0, CHUNK)], osem[ob])

    def wait_out(ob):
        pltpu.make_async_copy(
            obuf_v[ob], out_hbm.at[0, :, pl.ds(0, CHUNK)], osem[ob]).wait()

    def process(u, b, first, prefetch):
        wait_gather(b)
        if not first:
            wait_out(b)
        tscale(b, b)
        start_out(b, u)
        if prefetch:
            fetch(b, u + NBUF)

    for b in range(NBUF):
        fetch(b, b)
    for b in range(NBUF):
        process(b, b, first=True, prefetch=True)

    def rnd(g, _):
        for b in range(NBUF):
            process(g * NBUF + b, b, first=False, prefetch=True)
        return 0

    lax.fori_loop(1, NROUND - 1, rnd, 0)

    for b in range(NBUF):
        process((NROUND - 1) * NBUF + b, b, first=False, prefetch=False)
    for b in range(NBUF):
        wait_out(b)


VOCAB = 1000000
PC = 256
NCOLCH = VOCAB // PC
TAILW = VOCAB - NCOLCH * PC


def _relayout_body(tabT_hbm, tabP_hbm, *s):
    panel_v = s[0:2]
    obuf_v = s[2:4]
    tpanel_v, tobuf_v = s[4], s[5]
    psem = s[6:8]
    osem = s[8:10]

    wid = lax.axis_index("s") * NC + lax.axis_index("c")

    iota = lax.iota(jnp.int32, L)

    def chunk_of(k):
        return jnp.minimum(wid + k * NW, NCOLCH - 1)

    def fetch(b, k):
        c = chunk_of(k)
        pltpu.async_copy(
            tabT_hbm.at[:, pl.ds(c * PC, PC)], panel_v[b], psem[b])

    def wait_panel(b):
        pltpu.make_async_copy(
            tabT_hbm.at[:, pl.ds(0, PC)], panel_v[b], psem[b]).wait()

    def transpose(b, ob):
        def per_c(t, _):
            cvec = iota + t * L
            q16 = lax.shift_right_logical(cvec, 1)
            h16 = (cvec & 1) * D

            @plsc.parallel_loop(0, D, unroll=8)
            def per_d(d0):
                dvec = (iota + d0) & (D - 1)
                v = plsc.load_gather(panel_v[b], [dvec, cvec])
                plsc.store_scatter(obuf_v[ob], [q16, h16 + dvec], v)

            return 0

        lax.fori_loop(0, PC // L, per_c, 0)

    def start_out(ob, k):
        c = chunk_of(k)
        pltpu.async_copy(
            obuf_v[ob], tabP_hbm.at[pl.ds(c * (PC // 2), PC // 2), :], osem[ob])

    def wait_out(ob):
        pltpu.make_async_copy(
            obuf_v[ob], tabP_hbm.at[pl.ds(0, PC // 2), :], osem[ob]).wait()

    NSTEP = NCOLCH // NW + 1

    def stepk(b, k, wait_o, prefetch):
        wait_panel(b)
        if wait_o:
            wait_out(b)
        transpose(b, b)
        start_out(b, k)
        if prefetch:
            fetch(b, k + 2)

    fetch(0, 0)
    fetch(1, 1)
    stepk(0, 0, wait_o=False, prefetch=True)
    stepk(1, 1, wait_o=False, prefetch=True)

    def rnd(g, _):
        stepk(0, 2 * g, wait_o=True, prefetch=True)
        stepk(1, 2 * g + 1, wait_o=True, prefetch=True)
        return 0

    lax.fori_loop(1, NSTEP // 2, rnd, 0)

    stepk(0, NSTEP - 1, wait_o=True, prefetch=False)
    wait_panel(1)
    wait_out(0)
    wait_out(1)

    @pl.when(wid == NW - 1)
    def _():
        pltpu.sync_copy(tabT_hbm.at[:, pl.ds(NCOLCH * PC, TAILW)], tpanel_v)

        def per_c(t, _):
            cvec = iota + t * L
            q16 = lax.shift_right_logical(cvec, 1)
            h16 = (cvec & 1) * D

            @plsc.parallel_loop(0, D, unroll=8)
            def per_d(d0):
                dvec = (iota + d0) & (D - 1)
                v = plsc.load_gather(tpanel_v, [dvec, cvec])
                plsc.store_scatter(tobuf_v, [q16, h16 + dvec], v)

            return 0

        lax.fori_loop(0, TAILW // L, per_c, 0)
        pltpu.sync_copy(tobuf_v, tabP_hbm.at[pl.ds((VOCAB - TAILW) // 2, TAILW // 2), :])


@jax.jit
def _relayout(tabT):
    mesh = plsc.VectorSubcoreMesh(core_axis_name="c", subcore_axis_name="s")
    f = pl.kernel(
        _relayout_body,
        out_type=jax.ShapeDtypeStruct((VOCAB // 2, 2 * D), jnp.float32),
        mesh=mesh,
        scratch_types=(
            [pltpu.VMEM((D, PC), jnp.float32) for _ in range(2)]
            + [pltpu.VMEM((PC // 2, 2 * D), jnp.float32) for _ in range(2)]
            + [pltpu.VMEM((D, TAILW), jnp.float32),
               pltpu.VMEM((TAILW // 2, 2 * D), jnp.float32)]
            + [pltpu.SemaphoreType.DMA for _ in range(4)]
        ),
        compiler_params=pltpu.CompilerParams(
            use_tc_tiling_on_sc=True, needs_layout_passes=False),
    )
    return f(tabT)


@jax.jit
def _embed(tab_pairs, xf):
    mesh = plsc.VectorSubcoreMesh(core_axis_name="c", subcore_axis_name="s")
    f = pl.kernel(
        _body,
        out_type=jax.ShapeDtypeStruct((NS_TOK, D, NB), jnp.float32),
        mesh=mesh,
        scratch_types=(
            [pltpu.VMEM((CHUNK,), jnp.int32) for _ in range(NBUF)]
            + [pltpu.VMEM((CHUNK,), jnp.int32) for _ in range(NBUF)]
            + [pltpu.VMEM((CHUNK, 2 * D), jnp.float32) for _ in range(NBUF)]
            + [pltpu.VMEM((D, CHUNK), jnp.float32) for _ in range(NBUF)]
            + [pltpu.SemaphoreType.DMA for _ in range(2 * NBUF)]
        ),
        compiler_params=pltpu.CompilerParams(
            use_tc_tiling_on_sc=True, needs_layout_passes=False),
    )
    return f(tab_pairs, xf)


def kernel(x, table):
    tab_pairs = _relayout(table.T)
    xf = x.T.reshape(-1)
    out3 = _embed(tab_pairs, xf)
    return jnp.transpose(out3, (2, 0, 1))

# --- scband reference (transcript-rebuilt; emitter-appended) ---
"""Pipeline reference for scband-token-embedding-62173946577593 (READ-ONLY COPY).

The authoritative reference and input builder live on the scoring server;
editing this copy changes nothing except your own understanding.
"""

import jax, jax.numpy as jnp
import numpy as np
import math

VOCAB = 1000000
HIDDEN = 64

def setup_inputs(seed: int = 0) -> dict:
    key = jax.random.key(seed)
    k1, k2 = jax.random.split(key)
    x = jax.random.randint(k1, (16384, 50), 0, VOCAB, dtype=jnp.int64 if jax.config.jax_enable_x64 else jnp.int32)
    table = jax.random.normal(k2, (VOCAB, HIDDEN), dtype=jnp.float32)
    return {"x": x, "table": table}

def reference(x, table):
    scale = jnp.sqrt(jnp.asarray([float(HIDDEN)], dtype=jnp.float32))
    emb = jnp.take(table, x, axis=0)
    return emb * scale

if __name__ == "__main__":
    import jax
    _d = setup_inputs()
    print(jax.jit(kernel)(*tuple(_d.values())))

</pallas_src>

<mosaic_0001>
#map = affine_map<(d0, d1) -> (0, 0)>
module attributes {stable_mosaic.version = 14 : i64} {
  func.func @_relayout_body(%arg0: i32, %arg1: i32, %arg2: memref<64x1000000xf32, #tpu.memory_space<hbm>>, %arg3: memref<500000x128xf32, #tpu.memory_space<hbm>>, %arg4: memref<64x256xf32, #tpu.memory_space<vmem>>, %arg5: memref<64x256xf32, #tpu.memory_space<vmem>>, %arg6: memref<128x128xf32, #tpu.memory_space<vmem>>, %arg7: memref<128x128xf32, #tpu.memory_space<vmem>>, %arg8: memref<64x64xf32, #tpu.memory_space<vmem>>, %arg9: memref<32x128xf32, #tpu.memory_space<vmem>>, %arg10: memref<!tpu.dma_semaphore, #tpu.memory_space<semaphore_mem>>, %arg11: memref<!tpu.dma_semaphore, #tpu.memory_space<semaphore_mem>>, %arg12: memref<!tpu.dma_semaphore, #tpu.memory_space<semaphore_mem>>, %arg13: memref<!tpu.dma_semaphore, #tpu.memory_space<semaphore_mem>>) attributes {dimension_semantics = [#tpu.dimension_semantics<core_parallel>, #tpu.dimension_semantics<subcore_parallel>], iteration_bounds = array<i64: 2, 16>, scalar_prefetch = 0 : i64, scratch_operands = 10 : i64, tpu.core_type = #tpu.core_type<sc_vector_subcore>, window_params = [{transform_indices = #map}, {transform_indices = #map}]} {
    %mul3A = arith.constant 2 : i32
    %mul3A_0 = arith.muli %arg1, %mul3A : i32
    %add3A = arith.addi %mul3A_0, %arg0 : i32
    %iota3A = tpu.iota {dimensions = array<i32: 0>} : vector<16xi32>
    %add3A_1 = arith.constant 0 : i32
    %add3A_2 = arith.addi %add3A, %add3A_1 : i32
    %min3A = arith.constant 3905 : i32
    %min3A_3 = arith.minsi %add3A_2, %min3A : i32
    %mul3A_4 = arith.constant 256 : i32
    %mul3A_5 = arith.muli %min3A_3, %mul3A_4 : i32
    %dma_start3A = arith.constant 0 : i32
    %dma_start3A_6 = tpu.memref_slice %arg2[%dma_start3A, %mul3A_5] : memref<64x1000000xf32, #tpu.memory_space<hbm>> -> memref<64x256xf32, #tpu.memory_space<hbm>>
    %dma_start3A_7 = arith.constant 0 : i32
    %dma_start3A_8 = tpu.memref_slice %arg2[%dma_start3A_7, %mul3A_5] : memref<64x1000000xf32, #tpu.memory_space<hbm>> -> memref<64x256xf32, #tpu.memory_space<hbm>>
    tpu.enqueue_dma source(%dma_start3A_8 : memref<64x256xf32, #tpu.memory_space<hbm>>) target(%arg4 : memref<64x256xf32, #tpu.memory_space<vmem>>) target_semaphore(%arg10 : memref<!tpu.dma_semaphore, #tpu.memory_space<semaphore_mem>>)
    %add3A_9 = arith.constant 32 : i32
    %add3A_10 = arith.addi %add3A, %add3A_9 : i32
    %min3A_11 = arith.constant 3905 : i32
    %min3A_12 = arith.minsi %add3A_10, %min3A_11 : i32
    %mul3A_13 = arith.constant 256 : i32
    %mul3A_14 = arith.muli %min3A_12, %mul3A_13 : i32
    %dma_start3A_15 = arith.constant 0 : i32
    %dma_start3A_16 = tpu.memref_slice %arg2[%dma_start3A_15, %mul3A_14] : memref<64x1000000xf32, #tpu.memory_space<hbm>> -> memref<64x256xf32, #tpu.memory_space<hbm>>
    %dma_start3A_17 = arith.constant 0 : i32
    %dma_start3A_18 = tpu.memref_slice %arg2[%dma_start3A_17, %mul3A_14] : memref<64x1000000xf32, #tpu.memory_space<hbm>> -> memref<64x256xf32, #tpu.memory_space<hbm>>
    tpu.enqueue_dma source(%dma_start3A_18 : memref<64x256xf32, #tpu.memory_space<hbm>>) target(%arg5 : memref<64x256xf32, #tpu.memory_space<vmem>>) target_semaphore(%arg11 : memref<!tpu.dma_semaphore, #tpu.memory_space<semaphore_mem>>)
    %dma_wait3A = arith.constant 0 : i32
    %dma_wait3A_19 = arith.constant 0 : i32
    %dma_wait3A_20 = tpu.memref_slice %arg2[%dma_wait3A, %dma_wait3A_19] : memref<64x1000000xf32, #tpu.memory_space<hbm>> -> memref<64x256xf32, #tpu.memory_space<hbm>>
    %dma_wait3A_21 = arith.constant 0 : i32
    %dma_wait3A_22 = arith.constant 0 : i32
    %dma_wait3A_23 = tpu.memref_slice %arg2[%dma_wait3A_21, %dma_wait3A_22] : memref<64x1000000xf32, #tpu.memory_space<hbm>> -> memref<64x256xf32, #tpu.memory_space<hbm>>
    tpu.wait_dma2 semaphore(%arg10 : memref<!tpu.dma_semaphore, #tpu.memory_space<semaphore_mem>>) src(%dma_wait3A_23 : memref<64x256xf32, #tpu.memory_space<hbm>>) dst(%arg4 : memref<64x256xf32, #tpu.memory_space<vmem>>)
    %scan3A = arith.constant 0 : i32
    %scan3A_24 = arith.constant 0 : i32
    %scan3A_25 = arith.constant 16 : i32
    %scan3A_26 = arith.addi %scan3A_24, %scan3A_25 : i32
    %scan3A_27 = arith.constant 1 : i32
    %scan3A_28 = scf.for %scan3A_139 = %scan3A_24 to %scan3A_26 step %scan3A_27 iter_args(%scan3A_140 = %scan3A) -> (i32)  : i32 {
      %mul3A_141 = arith.constant 16 : i32
      %mul3A_142 = arith.muli %scan3A_139, %mul3A_141 : i32
      %add3A_143 = vector.broadcast %mul3A_142 : i32 to vector<16xi32>
      %add3A_144 = arith.addi %iota3A, %add3A_143 : vector<16xi32>
      %shift_right_logical3A = arith.constant 1 : i32
      %shift_right_logical3A_145 = vector.broadcast %shift_right_logical3A : i32 to vector<16xi32>
      %shift_right_logical3A_146 = arith.shrui %add3A_144, %shift_right_logical3A_145 : vector<16xi32>
      %and3A = arith.constant 1 : i32
      %and3A_147 = vector.broadcast %and3A : i32 to vector<16xi32>
      %and3A_148 = arith.andi %add3A_144, %and3A_147 : vector<16xi32>
      %mul3A_149 = arith.constant 64 : i32
      %mul3A_150 = vector.broadcast %mul3A_149 : i32 to vector<16xi32>
      %mul3A_151 = arith.muli %and3A_148, %mul3A_150 : vector<16xi32>
      %parallel_loop3A = arith.constant 0 : i32
      %parallel_loop3A_152 = arith.constant 64 : i32
      %parallel_loop3A_153 = arith.constant 1 : i32
      scf.for %parallel_loop3A_155 = %parallel_loop3A to %parallel_loop3A_152 step %parallel_loop3A_153  : i32 {
        %parallel_loop3A_156 = vector.broadcast %parallel_loop3A_155 : i32 to vector<16xi32>
        %parallel_loop3A_157 = arith.addi %iota3A, %parallel_loop3A_156 : vector<16xi32>
        %parallel_loop3A_158 = arith.constant 63 : i32
        %parallel_loop3A_159 = vector.broadcast %parallel_loop3A_158 : i32 to vector<16xi32>
        %parallel_loop3A_160 = arith.andi %parallel_loop3A_157, %parallel_loop3A_159 : vector<16xi32>
        %parallel_loop3A_161 = tpu.vector_load_idx %arg4[%parallel_loop3A_160, %add3A_144] : memref<64x256xf32, #tpu.memory_space<vmem>>[vector<16xi32>, vector<16xi32>], vector<16xf32>,
        %parallel_loop3A_162 = arith.addi %mul3A_151, %parallel_loop3A_160 : vector<16xi32>
        tpu.vector_store_idx %arg6[%shift_right_logical3A_146, %parallel_loop3A_162], %parallel_loop3A_161 : memref<128x128xf32, #tpu.memory_space<vmem>>[vector<16xi32>, vector<16xi32>], vector<16xf32>,
      } {sc.loop_unroll_factor = 8 : i64, sc.parallel_access}
      %scan3A_154 = arith.constant 0 : i32
      scf.yield %scan3A_154 : i32
    }
    %scan3A_29 = arith.constant 16 : i32
    %add3A_30 = arith.constant 0 : i32
    %add3A_31 = arith.addi %add3A, %add3A_30 : i32
    %min3A_32 = arith.constant 3905 : i32
    %min3A_33 = arith.minsi %add3A_31, %min3A_32 : i32
    %mul3A_34 = arith.constant 128 : i32
    %mul3A_35 = arith.muli %min3A_33, %mul3A_34 : i32
    %dma_start3A_36 = arith.constant 0 : i32
    %dma_start3A_37 = tpu.memref_slice %arg3[%mul3A_35, %dma_start3A_36] : memref<500000x128xf32, #tpu.memory_space<hbm>> -> memref<128x128xf32, #tpu.memory_space<hbm>>
    %dma_start3A_38 = arith.constant 0 : i32
    %dma_start3A_39 = tpu.memref_slice %arg3[%mul3A_35, %dma_start3A_38] : memref<500000x128xf32, #tpu.memory_space<hbm>> -> memref<128x128xf32, #tpu.memory_space<hbm>>
    tpu.enqueue_dma source(%arg6 : memref<128x128xf32, #tpu.memory_space<vmem>>) target(%dma_start3A_39 : memref<128x128xf32, #tpu.memory_space<hbm>>) target_semaphore(%arg12 : memref<!tpu.dma_semaphore, #tpu.memory_space<semaphore_mem>>)
    %add3A_40 = arith.constant 64 : i32
    %add3A_41 = arith.addi %add3A, %add3A_40 : i32
    %min3A_42 = arith.constant 3905 : i32
    %min3A_43 = arith.minsi %add3A_41, %min3A_42 : i32
    %mul3A_44 = arith.constant 256 : i32
    %mul3A_45 = arith.muli %min3A_43, %mul3A_44 : i32
    %dma_start3A_46 = arith.constant 0 : i32
    %dma_start3A_47 = tpu.memref_slice %arg2[%dma_start3A_46, %mul3A_45] : memref<64x1000000xf32, #tpu.memory_space<hbm>> -> memref<64x256xf32, #tpu.memory_space<hbm>>
    %dma_start3A_48 = arith.constant 0 : i32
    %dma_start3A_49 = tpu.memref_slice %arg2[%dma_start3A_48, %mul3A_45] : memref<64x1000000xf32, #tpu.memory_space<hbm>> -> memref<64x256xf32, #tpu.memory_space<hbm>>
    tpu.enqueue_dma source(%dma_start3A_49 : memref<64x256xf32, #tpu.memory_space<hbm>>) target(%arg4 : memref<64x256xf32, #tpu.memory_space<vmem>>) target_semaphore(%arg10 : memref<!tpu.dma_semaphore, #tpu.memory_space<semaphore_mem>>)
    %dma_wait3A_50 = arith.constant 0 : i32
    %dma_wait3A_51 = arith.constant 0 : i32
    %dma_wait3A_52 = tpu.memref_slice %arg2[%dma_wait3A_50, %dma_wait3A_51] : memref<64x1000000xf32, #tpu.memory_space<hbm>> -> memref<64x256xf32, #tpu.memory_space<hbm>>
    %dma_wait3A_53 = arith.constant 0 : i32
    %dma_wait3A_54 = arith.constant 0 : i32
    %dma_wait3A_55 = tpu.memref_slice %arg2[%dma_wait3A_53, %dma_wait3A_54] : memref<64x1000000xf32, #tpu.memory_space<hbm>> -> memref<64x256xf32, #tpu.memory_space<hbm>>
    tpu.wait_dma2 semaphore(%arg11 : memref<!tpu.dma_semaphore, #tpu.memory_space<semaphore_mem>>) src(%dma_wait3A_55 : memref<64x256xf32, #tpu.memory_space<hbm>>) dst(%arg5 : memref<64x256xf32, #tpu.memory_space<vmem>>)
    %scan3A_56 = arith.constant 0 : i32
    %scan3A_57 = arith.constant 0 : i32
    %scan3A_58 = arith.constant 16 : i32
    %scan3A_59 = arith.addi %scan3A_57, %scan3A_58 : i32
    %scan3A_60 = arith.constant 1 : i32
    %scan3A_61 = scf.for %scan3A_139 = %scan3A_57 to %scan3A_59 step %scan3A_60 iter_args(%scan3A_140 = %scan3A_56) -> (i32)  : i32 {
      %mul3A_141 = arith.constant 16 : i32
      %mul3A_142 = arith.muli %scan3A_139, %mul3A_141 : i32
      %add3A_143 = vector.broadcast %mul3A_142 : i32 to vector<16xi32>
      %add3A_144 = arith.addi %iota3A, %add3A_143 : vector<16xi32>
      %shift_right_logical3A = arith.constant 1 : i32
      %shift_right_logical3A_145 = vector.broadcast %shift_right_logical3A : i32 to vector<16xi32>
      %shift_right_logical3A_146 = arith.shrui %add3A_144, %shift_right_logical3A_145 : vector<16xi32>
      %and3A = arith.constant 1 : i32
      %and3A_147 = vector.broadcast %and3A : i32 to vector<16xi32>
      %and3A_148 = arith.andi %add3A_144, %and3A_147 : vector<16xi32>
      %mul3A_149 = arith.constant 64 : i32
      %mul3A_150 = vector.broadcast %mul3A_149 : i32 to vector<16xi32>
      %mul3A_151 = arith.muli %and3A_148, %mul3A_150 : vector<16xi32>
      %parallel_loop3A = arith.constant 0 : i32
      %parallel_loop3A_152 = arith.constant 64 : i32
      %parallel_loop3A_153 = arith.constant 1 : i32
      scf.for %parallel_loop3A_155 = %parallel_loop3A to %parallel_loop3A_152 step %parallel_loop3A_153  : i32 {
        %parallel_loop3A_156 = vector.broadcast %parallel_loop3A_155 : i32 to vector<16xi32>
        %parallel_loop3A_157 = arith.addi %iota3A, %parallel_loop3A_156 : vector<16xi32>
        %parallel_loop3A_158 = arith.constant 63 : i32
        %parallel_loop3A_159 = vector.broadcast %parallel_loop3A_158 : i32 to vector<16xi32>
        %parallel_loop3A_160 = arith.andi %parallel_loop3A_157, %parallel_loop3A_159 : vector<16xi32>
        %parallel_loop3A_161 = tpu.vector_load_idx %arg5[%parallel_loop3A_160, %add3A_144] : memref<64x256xf32, #tpu.memory_space<vmem>>[vector<16xi32>, vector<16xi32>], vector<16xf32>,
        %parallel_loop3A_162 = arith.addi %mul3A_151, %parallel_loop3A_160 : vector<16xi32>
        tpu.vector_store_idx %arg7[%shift_right_logical3A_146, %parallel_loop3A_162], %parallel_loop3A_161 : memref<128x128xf32, #tpu.memory_space<vmem>>[vector<16xi32>, vector<16xi32>], vector<16xf32>,
      } {sc.loop_unroll_factor = 8 : i64, sc.parallel_access}
      %scan3A_154 = arith.constant 0 : i32
      scf.yield %scan3A_154 : i32
    }
    %scan3A_62 = arith.constant 16 : i32
    %add3A_63 = arith.constant 32 : i32
    %add3A_64 = arith.addi %add3A, %add3A_63 : i32
    %min3A_65 = arith.constant 3905 : i32
    %min3A_66 = arith.minsi %add3A_64, %min3A_65 : i32
    %mul3A_67 = arith.constant 128 : i32
    %mul3A_68 = arith.muli %min3A_66, %mul3A_67 : i32
    %dma_start3A_69 = arith.constant 0 : i32
    %dma_start3A_70 = tpu.memref_slice %arg3[%mul3A_68, %dma_start3A_69] : memref<500000x128xf32, #tpu.memory_space<hbm>> -> memref<128x128xf32, #tpu.memory_space<hbm>>
    %dma_start3A_71 = arith.constant 0 : i32
    %dma_start3A_72 = tpu.memref_slice %arg3[%mul3A_68, %dma_start3A_71] : memref<500000x128xf32, #tpu.memory_space<hbm>> -> memref<128x128xf32, #tpu.memory_space<hbm>>
    tpu.enqueue_dma source(%arg7 : memref<128x128xf32, #tpu.memory_space<vmem>>) target(%dma_start3A_72 : memref<128x128xf32, #tpu.memory_space<hbm>>) target_semaphore(%arg13 : memref<!tpu.dma_semaphore, #tpu.memory_space<semaphore_mem>>)
    %add3A_73 = arith.constant 96 : i32
    %add3A_74 = arith.addi %add3A, %add3A_73 : i32
    %min3A_75 = arith.constant 3905 : i32
    %min3A_76 = arith.minsi %add3A_74, %min3A_75 : i32
    %mul3A_77 = arith.constant 256 : i32
    %mul3A_78 = arith.muli %min3A_76, %mul3A_77 : i32
    %dma_start3A_79 = arith.constant 0 : i32
    %dma_start3A_80 = tpu.memref_slice %arg2[%dma_start3A_79, %mul3A_78] : memref<64x1000000xf32, #tpu.memory_space<hbm>> -> memref<64x256xf32, #tpu.memory_space<hbm>>
    %dma_start3A_81 = arith.constant 0 : i32
    %dma_start3A_82 = tpu.memref_slice %arg2[%dma_start3A_81, %mul3A_78] : memref<64x1000000xf32, #tpu.memory_space<hbm>> -> memref<64x256xf32, #tpu.memory_space<hbm>>
    tpu.enqueue_dma source(%dma_start3A_82 : memref<64x256xf32, #tpu.memory_space<hbm>>) target(%arg5 : memref<64x256xf32, #tpu.memory_space<vmem>>) target_semaphore(%arg11 : memref<!tpu.dma_semaphore, #tpu.memory_space<semaphore_mem>>)
    %scan3A_83 = arith.constant 0 : i32
    %scan3A_84 = arith.constant 1 : i32
    %scan3A_85 = arith.constant 60 : i32
    %scan3A_86 = arith.addi %scan3A_84, %scan3A_85 : i32
    %scan3A_87 = arith.constant 1 : i32
    %scan3A_88 = scf.for %scan3A_139 = %scan3A_84 to %scan3A_86 step %scan3A_87 iter_args(%scan3A_140 = %scan3A_83) -> (i32)  : i32 {
      %mul3A_141 = arith.constant 2 : i32
      %mul3A_142 = arith.muli %mul3A_141, %scan3A_139 : i32
      %dma_wait3A_143 = arith.constant 0 : i32
      %dma_wait3A_144 = arith.constant 0 : i32
      %dma_wait3A_145 = tpu.memref_slice %arg2[%dma_wait3A_143, %dma_wait3A_144] : memref<64x1000000xf32, #tpu.memory_space<hbm>> -> memref<64x256xf32, #tpu.memory_space<hbm>>
      %dma_wait3A_146 = arith.constant 0 : i32
      %dma_wait3A_147 = arith.constant 0 : i32
      %dma_wait3A_148 = tpu.memref_slice %arg2[%dma_wait3A_146, %dma_wait3A_147] : memref<64x1000000xf32, #tpu.memory_space<hbm>> -> memref<64x256xf32, #tpu.memory_space<hbm>>
      tpu.wait_dma2 semaphore(%arg10 : memref<!tpu.dma_semaphore, #tpu.memory_space<semaphore_mem>>) src(%dma_wait3A_148 : memref<64x256xf32, #tpu.memory_space<hbm>>) dst(%arg4 : memref<64x256xf32, #tpu.memory_space<vmem>>)
      %dma_wait3A_149 = arith.constant 0 : i32
      %dma_wait3A_150 = arith.constant 0 : i32
      %dma_wait3A_151 = tpu.memref_slice %arg3[%dma_wait3A_149, %dma_wait3A_150] : memref<500000x128xf32, #tpu.memory_space<hbm>> -> memref<128x128xf32, #tpu.memory_space<hbm>>
      %dma_wait3A_152 = arith.constant 0 : i32
      %dma_wait3A_153 = arith.constant 0 : i32
      %dma_wait3A_154 = tpu.memref_slice %arg3[%dma_wait3A_152, %dma_wait3A_153] : memref<500000x128xf32, #tpu.memory_space<hbm>> -> memref<128x128xf32, #tpu.memory_space<hbm>>
      tpu.wait_dma2 semaphore(%arg12 : memref<!tpu.dma_semaphore, #tpu.memory_space<semaphore_mem>>) src(%arg6 : memref<128x128xf32, #tpu.memory_space<vmem>>) dst(%dma_wait3A_154 : memref<128x128xf32, #tpu.memory_space<hbm>>)
      %scan3A_155 = arith.constant 0 : i32
      %scan3A_156 = arith.constant 0 : i32
      %scan3A_157 = arith.constant 16 : i32
      %scan3A_158 = arith.addi %scan3A_156, %scan3A_157 : i32
      %scan3A_159 = arith.constant 1 : i32
      %scan3A_160 = scf.for %scan3A_234 = %scan3A_156 to %scan3A_158 step %scan3A_159 iter_args(%scan3A_235 = %scan3A_155) -> (i32)  : i32 {
        %mul3A_236 = arith.constant 16 : i32
        %mul3A_237 = arith.muli %scan3A_234, %mul3A_236 : i32
        %add3A_238 = vector.broadcast %mul3A_237 : i32 to vector<16xi32>
        %add3A_239 = arith.addi %iota3A, %add3A_238 : vector<16xi32>
        %shift_right_logical3A = arith.constant 1 : i32
        %shift_right_logical3A_240 = vector.broadcast %shift_right_logical3A : i32 to vector<16xi32>
        %shift_right_logical3A_241 = arith.shrui %add3A_239, %shift_right_logical3A_240 : vector<16xi32>
        %and3A = arith.constant 1 : i32
        %and3A_242 = vector.broadcast %and3A : i32 to vector<16xi32>
        %and3A_243 = arith.andi %add3A_239, %and3A_242 : vector<16xi32>
        %mul3A_244 = arith.constant 64 : i32
        %mul3A_245 = vector.broadcast %mul3A_244 : i32 to vector<16xi32>
        %mul3A_246 = arith.muli %and3A_243, %mul3A_245 : vector<16xi32>
        %parallel_loop3A = arith.constant 0 : i32
        %parallel_loop3A_247 = arith.constant 64 : i32
        %parallel_loop3A_248 = arith.constant 1 : i32
        scf.for %parallel_loop3A_250 = %parallel_loop3A to %parallel_loop3A_247 step %parallel_loop3A_248  : i32 {
          %parallel_loop3A_251 = vector.broadcast %parallel_loop3A_250 : i32 to vector<16xi32>
          %parallel_loop3A_252 = arith.addi %iota3A, %parallel_loop3A_251 : vector<16xi32>
          %parallel_loop3A_253 = arith.constant 63 : i32
          %parallel_loop3A_254 = vector.broadcast %parallel_loop3A_253 : i32 to vector<16xi32>
          %parallel_loop3A_255 = arith.andi %parallel_loop3A_252, %parallel_loop3A_254 : vector<16xi32>
          %parallel_loop3A_256 = tpu.vector_load_idx %arg4[%parallel_loop3A_255, %add3A_239] : memref<64x256xf32, #tpu.memory_space<vmem>>[vector<16xi32>, vector<16xi32>], vector<16xf32>,
          %parallel_loop3A_257 = arith.addi %mul3A_246, %parallel_loop3A_255 : vector<16xi32>
          tpu.vector_store_idx %arg6[%shift_right_logical3A_241, %parallel_loop3A_257], %parallel_loop3A_256 : memref<128x128xf32, #tpu.memory_space<vmem>>[vector<16xi32>, vector<16xi32>], vector<16xf32>,
        } {sc.loop_unroll_factor = 8 : i64, sc.parallel_access}
        %scan3A_249 = arith.constant 0 : i32
        scf.yield %scan3A_249 : i32
      }
      %scan3A_161 = arith.constant 16 : i32
      %mul3A_162 = arith.constant 32 : i32
      %mul3A_163 = arith.muli %mul3A_142, %mul3A_162 : i32
      %add3A_164 = arith.addi %add3A, %mul3A_163 : i32
      %min3A_165 = arith.constant 3905 : i32
      %min3A_166 = arith.minsi %add3A_164, %min3A_165 : i32
      %mul3A_167 = arith.constant 128 : i32
      %mul3A_168 = arith.muli %min3A_166, %mul3A_167 : i32
      %dma_start3A_169 = arith.constant 0 : i32
      %dma_start3A_170 = tpu.memref_slice %arg3[%mul3A_168, %dma_start3A_169] : memref<500000x128xf32, #tpu.memory_space<hbm>> -> memref<128x128xf32, #tpu.memory_space<hbm>>
      %dma_start3A_171 = arith.constant 0 : i32
      %dma_start3A_172 = tpu.memref_slice %arg3[%mul3A_168, %dma_start3A_171] : memref<500000x128xf32, #tpu.memory_space<hbm>> -> memref<128x128xf32, #tpu.memory_space<hbm>>
      tpu.enqueue_dma source(%arg6 : memref<128x128xf32, #tpu.memory_space<vmem>>) target(%dma_start3A_172 : memref<128x128xf32, #tpu.memory_space<hbm>>) target_semaphore(%arg12 : memref<!tpu.dma_semaphore, #tpu.memory_space<semaphore_mem>>)
      %add3A_173 = arith.constant 2 : i32
      %add3A_174 = arith.addi %mul3A_142, %add3A_173 : i32
      %mul3A_175 = arith.constant 32 : i32
      %mul3A_176 = arith.muli %add3A_174, %mul3A_175 : i32
      %add3A_177 = arith.addi %add3A, %mul3A_176 : i32
      %min3A_178 = arith.constant 3905 : i32
      %min3A_179 = arith.minsi %add3A_177, %min3A_178 : i32
      %mul3A_180 = arith.constant 256 : i32
      %mul3A_181 = arith.muli %min3A_179, %mul3A_180 : i32
      %dma_start3A_182 = arith.constant 0 : i32
      %dma_start3A_183 = tpu.memref_slice %arg2[%dma_start3A_182, %mul3A_181] : memref<64x1000000xf32, #tpu.memory_space<hbm>> -> memref<64x256xf32, #tpu.memory_space<hbm>>
      %dma_start3A_184 = arith.constant 0 : i32
      %dma_start3A_185 = tpu.memref_slice %arg2[%dma_start3A_184, %mul3A_181] : memref<64x1000000xf32, #tpu.memory_space<hbm>> -> memref<64x256xf32, #tpu.memory_space<hbm>>
      tpu.enqueue_dma source(%dma_start3A_185 : memref<64x256xf32, #tpu.memory_space<hbm>>) target(%arg4 : memref<64x256xf32, #tpu.memory_space<vmem>>) target_semaphore(%arg10 : memref<!tpu.dma_semaphore, #tpu.memory_space<semaphore_mem>>)
      %mul3A_186 = arith.constant 2 : i32
      %mul3A_187 = arith.muli %mul3A_186, %scan3A_139 : i32
      %add3A_188 = arith.constant 1 : i32
      %add3A_189 = arith.addi %mul3A_187, %add3A_188 : i32
      %dma_wait3A_190 = arith.constant 0 : i32
      %dma_wait3A_191 = arith.constant 0 : i32
      %dma_wait3A_192 = tpu.memref_slice %arg2[%dma_wait3A_190, %dma_wait3A_191] : memref<64x1000000xf32, #tpu.memory_space<hbm>> -> memref<64x256xf32, #tpu.memory_space<hbm>>
      %dma_wait3A_193 = arith.constant 0 : i32
      %dma_wait3A_194 = arith.constant 0 : i32
      %dma_wait3A_195 = tpu.memref_slice %arg2[%dma_wait3A_193, %dma_wait3A_194] : memref<64x1000000xf32, #tpu.memory_space<hbm>> -> memref<64x256xf32, #tpu.memory_space<hbm>>
      tpu.wait_dma2 semaphore(%arg11 : memref<!tpu.dma_semaphore, #tpu.memory_space<semaphore_mem>>) src(%dma_wait3A_195 : memref<64x256xf32, #tpu.memory_space<hbm>>) dst(%arg5 : memref<64x256xf32, #tpu.memory_space<vmem>>)
      %dma_wait3A_196 = arith.constant 0 : i32
      %dma_wait3A_197 = arith.constant 0 : i32
      %dma_wait3A_198 = tpu.memref_slice %arg3[%dma_wait3A_196, %dma_wait3A_197] : memref<500000x128xf32, #tpu.memory_space<hbm>> -> memref<128x128xf32, #tpu.memory_space<hbm>>
      %dma_wait3A_199 = arith.constant 0 : i32
      %dma_wait3A_200 = arith.constant 0 : i32
      %dma_wait3A_201 = tpu.memref_slice %arg3[%dma_wait3A_199, %dma_wait3A_200] : memref<500000x128xf32, #tpu.memory_space<hbm>> -> memref<128x128xf32, #tpu.memory_space<hbm>>
      tpu.wait_dma2 semaphore(%arg13 : memref<!tpu.dma_semaphore, #tpu.memory_space<semaphore_mem>>) src(%arg7 : memref<128x128xf32, #tpu.memory_space<vmem>>) dst(%dma_wait3A_201 : memref<128x128xf32, #tpu.memory_space<hbm>>)
      %scan3A_202 = arith.constant 0 : i32
      %scan3A_203 = arith.constant 0 : i32
      %scan3A_204 = arith.constant 16 : i32
      %scan3A_205 = arith.addi %scan3A_203, %scan3A_204 : i32
      %scan3A_206 = arith.constant 1 : i32
      %scan3A_207 = scf.for %scan3A_234 = %scan3A_203 to %scan3A_205 step %scan3A_206 iter_args(%scan3A_235 = %scan3A_202) -> (i32)  : i32 {
        %mul3A_236 = arith.constant 16 : i32
        %mul3A_237 = arith.muli %scan3A_234, %mul3A_236 : i32
        %add3A_238 = vector.broadcast %mul3A_237 : i32 to vector<16xi32>
        %add3A_239 = arith.addi %iota3A, %add3A_238 : vector<16xi32>
        %shift_right_logical3A = arith.constant 1 : i32
        %shift_right_logical3A_240 = vector.broadcast %shift_right_logical3A : i32 to vector<16xi32>
        %shift_right_logical3A_241 = arith.shrui %add3A_239, %shift_right_logical3A_240 : vector<16xi32>
        %and3A = arith.constant 1 : i32
        %and3A_242 = vector.broadcast %and3A : i32 to vector<16xi32>
        %and3A_243 = arith.andi %add3A_239, %and3A_242 : vector<16xi32>
        %mul3A_244 = arith.constant 64 : i32
        %mul3A_245 = vector.broadcast %mul3A_244 : i32 to vector<16xi32>
        %mul3A_246 = arith.muli %and3A_243, %mul3A_245 : vector<16xi32>
        %parallel_loop3A = arith.constant 0 : i32
        %parallel_loop3A_247 = arith.constant 64 : i32
        %parallel_loop3A_248 = arith.constant 1 : i32
        scf.for %parallel_loop3A_250 = %parallel_loop3A to %parallel_loop3A_247 step %parallel_loop3A_248  : i32 {
          %parallel_loop3A_251 = vector.broadcast %parallel_loop3A_250 : i32 to vector<16xi32>
          %parallel_loop3A_252 = arith.addi %iota3A, %parallel_loop3A_251 : vector<16xi32>
          %parallel_loop3A_253 = arith.constant 63 : i32
          %parallel_loop3A_254 = vector.broadcast %parallel_loop3A_253 : i32 to vector<16xi32>
          %parallel_loop3A_255 = arith.andi %parallel_loop3A_252, %parallel_loop3A_254 : vector<16xi32>
          %parallel_loop3A_256 = tpu.vector_load_idx %arg5[%parallel_loop3A_255, %add3A_239] : memref<64x256xf32, #tpu.memory_space<vmem>>[vector<16xi32>, vector<16xi32>], vector<16xf32>,
          %parallel_loop3A_257 = arith.addi %mul3A_246, %parallel_loop3A_255 : vector<16xi32>
          tpu.vector_store_idx %arg7[%shift_right_logical3A_241, %parallel_loop3A_257], %parallel_loop3A_256 : memref<128x128xf32, #tpu.memory_space<vmem>>[vector<16xi32>, vector<16xi32>], vector<16xf32>,
        } {sc.loop_unroll_factor = 8 : i64, sc.parallel_access}
        %scan3A_249 = arith.constant 0 : i32
        scf.yield %scan3A_249 : i32
      }
      %scan3A_208 = arith.constant 16 : i32
      %mul3A_209 = arith.constant 32 : i32
      %mul3A_210 = arith.muli %add3A_189, %mul3A_209 : i32
      %add3A_211 = arith.addi %add3A, %mul3A_210 : i32
      %min3A_212 = arith.constant 3905 : i32
      %min3A_213 = arith.minsi %add3A_211, %min3A_212 : i32
      %mul3A_214 = arith.constant 128 : i32
      %mul3A_215 = arith.muli %min3A_213, %mul3A_214 : i32
      %dma_start3A_216 = arith.constant 0 : i32
      %dma_start3A_217 = tpu.memref_slice %arg3[%mul3A_215, %dma_start3A_216] : memref<500000x128xf32, #tpu.memory_space<hbm>> -> memref<128x128xf32, #tpu.memory_space<hbm>>
      %dma_start3A_218 = arith.constant 0 : i32
      %dma_start3A_219 = tpu.memref_slice %arg3[%mul3A_215, %dma_start3A_218] : memref<500000x128xf32, #tpu.memory_space<hbm>> -> memref<128x128xf32, #tpu.memory_space<hbm>>
      tpu.enqueue_dma source(%arg7 : memref<128x128xf32, #tpu.memory_space<vmem>>) target(%dma_start3A_219 : memref<128x128xf32, #tpu.memory_space<hbm>>) target_semaphore(%arg13 : memref<!tpu.dma_semaphore, #tpu.memory_space<semaphore_mem>>)
      %add3A_220 = arith.constant 2 : i32
      %add3A_221 = arith.addi %add3A_189, %add3A_220 : i32
      %mul3A_222 = arith.constant 32 : i32
      %mul3A_223 = arith.muli %add3A_221, %mul3A_222 : i32
      %add3A_224 = arith.addi %add3A, %mul3A_223 : i32
      %min3A_225 = arith.constant 3905 : i32
      %min3A_226 = arith.minsi %add3A_224, %min3A_225 : i32
      %mul3A_227 = arith.constant 256 : i32
      %mul3A_228 = arith.muli %min3A_226, %mul3A_227 : i32
      %dma_start3A_229 = arith.constant 0 : i32
      %dma_start3A_230 = tpu.memref_slice %arg2[%dma_start3A_229, %mul3A_228] : memref<64x1000000xf32, #tpu.memory_space<hbm>> -> memref<64x256xf32, #tpu.memory_space<hbm>>
      %dma_start3A_231 = arith.constant 0 : i32
      %dma_start3A_232 = tpu.memref_slice %arg2[%dma_start3A_231, %mul3A_228] : memref<64x1000000xf32, #tpu.memory_space<hbm>> -> memref<64x256xf32, #tpu.memory_space<hbm>>
      tpu.enqueue_dma source(%dma_start3A_232 : memref<64x256xf32, #tpu.memory_space<hbm>>) target(%arg5 : memref<64x256xf32, #tpu.memory_space<vmem>>) target_semaphore(%arg11 : memref<!tpu.dma_semaphore, #tpu.memory_space<semaphore_mem>>)
      %scan3A_233 = arith.constant 0 : i32
      scf.yield %scan3A_233 : i32
    }
    %scan3A_89 = arith.constant 60 : i32
    %dma_wait3A_90 = arith.constant 0 : i32
    %dma_wait3A_91 = arith.constant 0 : i32
    %dma_wait3A_92 = tpu.memref_slice %arg2[%dma_wait3A_90, %dma_wait3A_91] : memref<64x1000000xf32, #tpu.memory_space<hbm>> -> memref<64x256xf32, #tpu.memory_space<hbm>>
    %dma_wait3A_93 = arith.constant 0 : i32
    %dma_wait3A_94 = arith.constant 0 : i32
    %dma_wait3A_95 = tpu.memref_slice %arg2[%dma_wait3A_93, %dma_wait3A_94] : memref<64x1000000xf32, #tpu.memory_space<hbm>> -> memref<64x256xf32, #tpu.memory_space<hbm>>
    tpu.wait_dma2 semaphore(%arg10 : memref<!tpu.dma_semaphore, #tpu.memory_space<semaphore_mem>>) src(%dma_wait3A_95 : memref<64x256xf32, #tpu.memory_space<hbm>>) dst(%arg4 : memref<64x256xf32, #tpu.memory_space<vmem>>)
    %dma_wait3A_96 = arith.constant 0 : i32
    %dma_wait3A_97 = arith.constant 0 : i32
    %dma_wait3A_98 = tpu.memref_slice %arg3[%dma_wait3A_96, %dma_wait3A_97] : memref<500000x128xf32, #tpu.memory_space<hbm>> -> memref<128x128xf32, #tpu.memory_space<hbm>>
    %dma_wait3A_99 = arith.constant 0 : i32
    %dma_wait3A_100 = arith.constant 0 : i32
    %dma_wait3A_101 = tpu.memref_slice %arg3[%dma_wait3A_99, %dma_wait3A_100] : memref<500000x128xf32, #tpu.memory_space<hbm>> -> memref<128x128xf32, #tpu.memory_space<hbm>>
    tpu.wait_dma2 semaphore(%arg12 : memref<!tpu.dma_semaphore, #tpu.memory_space<semaphore_mem>>) src(%arg6 : memref<128x128xf32, #tpu.memory_space<vmem>>) dst(%dma_wait3A_101 : memref<128x128xf32, #tpu.memory_space<hbm>>)
    %scan3A_102 = arith.constant 0 : i32
    %scan3A_103 = arith.constant 0 : i32
    %scan3A_104 = arith.constant 16 : i32
    %scan3A_105 = arith.addi %scan3A_103, %scan3A_104 : i32
    %scan3A_106 = arith.constant 1 : i32
    %scan3A_107 = scf.for %scan3A_139 = %scan3A_103 to %scan3A_105 step %scan3A_106 iter_args(%scan3A_140 = %scan3A_102) -> (i32)  : i32 {
      %mul3A_141 = arith.constant 16 : i32
      %mul3A_142 = arith.muli %scan3A_139, %mul3A_141 : i32
      %add3A_143 = vector.broadcast %mul3A_142 : i32 to vector<16xi32>
      %add3A_144 = arith.addi %iota3A, %add3A_143 : vector<16xi32>
      %shift_right_logical3A = arith.constant 1 : i32
      %shift_right_logical3A_145 = vector.broadcast %shift_right_logical3A : i32 to vector<16xi32>
      %shift_right_logical3A_146 = arith.shrui %add3A_144, %shift_right_logical3A_145 : vector<16xi32>
      %and3A = arith.constant 1 : i32
      %and3A_147 = vector.broadcast %and3A : i32 to vector<16xi32>
      %and3A_148 = arith.andi %add3A_144, %and3A_147 : vector<16xi32>
      %mul3A_149 = arith.constant 64 : i32
      %mul3A_150 = vector.broadcast %mul3A_149 : i32 to vector<16xi32>
      %mul3A_151 = arith.muli %and3A_148, %mul3A_150 : vector<16xi32>
      %parallel_loop3A = arith.constant 0 : i32
      %parallel_loop3A_152 = arith.constant 64 : i32
      %parallel_loop3A_153 = arith.constant 1 : i32
      scf.for %parallel_loop3A_155 = %parallel_loop3A to %parallel_loop3A_152 step %parallel_loop3A_153  : i32 {
        %parallel_loop3A_156 = vector.broadcast %parallel_loop3A_155 : i32 to vector<16xi32>
        %parallel_loop3A_157 = arith.addi %iota3A, %parallel_loop3A_156 : vector<16xi32>
        %parallel_loop3A_158 = arith.constant 63 : i32
        %parallel_loop3A_159 = vector.broadcast %parallel_loop3A_158 : i32 to vector<16xi32>
        %parallel_loop3A_160 = arith.andi %parallel_loop3A_157, %parallel_loop3A_159 : vector<16xi32>
        %parallel_loop3A_161 = tpu.vector_load_idx %arg4[%parallel_loop3A_160, %add3A_144] : memref<64x256xf32, #tpu.memory_space<vmem>>[vector<16xi32>, vector<16xi32>], vector<16xf32>,
        %parallel_loop3A_162 = arith.addi %mul3A_151, %parallel_loop3A_160 : vector<16xi32>
        tpu.vector_store_idx %arg6[%shift_right_logical3A_146, %parallel_loop3A_162], %parallel_loop3A_161 : memref<128x128xf32, #tpu.memory_space<vmem>>[vector<16xi32>, vector<16xi32>], vector<16xf32>,
      } {sc.loop_unroll_factor = 8 : i64, sc.parallel_access}
      %scan3A_154 = arith.constant 0 : i32
      scf.yield %scan3A_154 : i32
    }
    %scan3A_108 = arith.constant 16 : i32
    %add3A_109 = arith.constant 3904 : i32
    %add3A_110 = arith.addi %add3A, %add3A_109 : i32
    %min3A_111 = arith.constant 3905 : i32
    %min3A_112 = arith.minsi %add3A_110, %min3A_111 : i32
    %mul3A_113 = arith.constant 128 : i32
    %mul3A_114 = arith.muli %min3A_112, %mul3A_113 : i32
    %dma_start3A_115 = arith.constant 0 : i32
    %dma_start3A_116 = tpu.memref_slice %arg3[%mul3A_114, %dma_start3A_115] : memref<500000x128xf32, #tpu.memory_space<hbm>> -> memref<128x128xf32, #tpu.memory_space<hbm>>
    %dma_start3A_117 = arith.constant 0 : i32
    %dma_start3A_118 = tpu.memref_slice %arg3[%mul3A_114, %dma_start3A_117] : memref<500000x128xf32, #tpu.memory_space<hbm>> -> memref<128x128xf32, #tpu.memory_space<hbm>>
    tpu.enqueue_dma source(%arg6 : memref<128x128xf32, #tpu.memory_space<vmem>>) target(%dma_start3A_118 : memref<128x128xf32, #tpu.memory_space<hbm>>) target_semaphore(%arg12 : memref<!tpu.dma_semaphore, #tpu.memory_space<semaphore_mem>>)
    %dma_wait3A_119 = arith.constant 0 : i32
    %dma_wait3A_120 = arith.constant 0 : i32
    %dma_wait3A_121 = tpu.memref_slice %arg2[%dma_wait3A_119, %dma_wait3A_120] : memref<64x1000000xf32, #tpu.memory_space<hbm>> -> memref<64x256xf32, #tpu.memory_space<hbm>>
    %dma_wait3A_122 = arith.constant 0 : i32
    %dma_wait3A_123 = arith.constant 0 : i32
    %dma_wait3A_124 = tpu.memref_slice %arg2[%dma_wait3A_122, %dma_wait3A_123] : memref<64x1000000xf32, #tpu.memory_space<hbm>> -> memref<64x256xf32, #tpu.memory_space<hbm>>
    tpu.wait_dma2 semaphore(%arg11 : memref<!tpu.dma_semaphore, #tpu.memory_space<semaphore_mem>>) src(%dma_wait3A_124 : memref<64x256xf32, #tpu.memory_space<hbm>>) dst(%arg5 : memref<64x256xf32, #tpu.memory_space<vmem>>)
    %dma_wait3A_125 = arith.constant 0 : i32
    %dma_wait3A_126 = arith.constant 0 : i32
    %dma_wait3A_127 = tpu.memref_slice %arg3[%dma_wait3A_125, %dma_wait3A_126] : memref<500000x128xf32, #tpu.memory_space<hbm>> -> memref<128x128xf32, #tpu.memory_space<hbm>>
    %dma_wait3A_128 = arith.constant 0 : i32
    %dma_wait3A_129 = arith.constant 0 : i32
    %dma_wait3A_130 = tpu.memref_slice %arg3[%dma_wait3A_128, %dma_wait3A_129] : memref<500000x128xf32, #tpu.memory_space<hbm>> -> memref<128x128xf32, #tpu.memory_space<hbm>>
    tpu.wait_dma2 semaphore(%arg12 : memref<!tpu.dma_semaphore, #tpu.memory_space<semaphore_mem>>) src(%arg6 : memref<128x128xf32, #tpu.memory_space<vmem>>) dst(%dma_wait3A_130 : memref<128x128xf32, #tpu.memory_space<hbm>>)
    %dma_wait3A_131 = arith.constant 0 : i32
    %dma_wait3A_132 = arith.constant 0 : i32
    %dma_wait3A_133 = tpu.memref_slice %arg3[%dma_wait3A_131, %dma_wait3A_132] : memref<500000x128xf32, #tpu.memory_space<hbm>> -> memref<128x128xf32, #tpu.memory_space<hbm>>
    %dma_wait3A_134 = arith.constant 0 : i32
    %dma_wait3A_135 = arith.constant 0 : i32
    %dma_wait3A_136 = tpu.memref_slice %arg3[%dma_wait3A_134, %dma_wait3A_135] : memref<500000x128xf32, #tpu.memory_space<hbm>> -> memref<128x128xf32, #tpu.memory_space<hbm>>
    tpu.wait_dma2 semaphore(%arg13 : memref<!tpu.dma_semaphore, #tpu.memory_space<semaphore_mem>>) src(%arg7 : memref<128x128xf32, #tpu.memory_space<vmem>>) dst(%dma_wait3A_136 : memref<128x128xf32, #tpu.memory_space<hbm>>)
    %eq3A = arith.constant 31 : i32
    %eq3A_137 = arith.cmpi eq, %add3A, %eq3A : i32
    %convert_element_type3A = arith.extui %eq3A_137 : i1 to i32
    %cond3A = arith.constant 0 : i32
    %cond3A_138 = arith.cmpi ne, %convert_element_type3A, %cond3A : i32
    scf.if %cond3A_138 {
      "tpu.region"() ({
        %run_scoped3A = tpu.sem_alloc : memref<!tpu.dma_semaphore, #tpu.memory_space<semaphore_mem>>
        %dma_start3A_146 = arith.constant 0 : i32
        %dma_start3A_147 = arith.constant 999936 : i32
        %dma_start3A_148 = tpu.memref_slice %arg2[%dma_start3A_146, %dma_start3A_147] : memref<64x1000000xf32, #tpu.memory_space<hbm>> -> memref<64x64xf32, #tpu.memory_space<hbm>>
        %dma_start3A_149 = arith.constant 0 : i32
        %dma_start3A_150 = arith.constant 999936 : i32
        %dma_start3A_151 = tpu.memref_slice %arg2[%dma_start3A_149, %dma_start3A_150] : memref<64x1000000xf32, #tpu.memory_space<hbm>> -> memref<64x64xf32, #tpu.memory_space<hbm>>
        tpu.enqueue_dma source(%dma_start3A_151 : memref<64x64xf32, #tpu.memory_space<hbm>>) target(%arg8 : memref<64x64xf32, #tpu.memory_space<vmem>>) target_semaphore(%run_scoped3A : memref<!tpu.dma_semaphore, #tpu.memory_space<semaphore_mem>>)
        %dma_wait3A_152 = arith.constant 0 : i32
        %dma_wait3A_153 = arith.constant 999936 : i32
        %dma_wait3A_154 = tpu.memref_slice %arg2[%dma_wait3A_152, %dma_wait3A_153] : memref<64x1000000xf32, #tpu.memory_space<hbm>> -> memref<64x64xf32, #tpu.memory_space<hbm>>
        %dma_wait3A_155 = arith.constant 0 : i32
        %dma_wait3A_156 = arith.constant 999936 : i32
        %dma_wait3A_157 = tpu.memref_slice %arg2[%dma_wait3A_155, %dma_wait3A_156] : memref<64x1000000xf32, #tpu.memory_space<hbm>> -> memref<64x64xf32, #tpu.memory_space<hbm>>
        tpu.wait_dma2 semaphore(%run_scoped3A : memref<!tpu.dma_semaphore, #tpu.memory_space<semaphore_mem>>) src(%dma_wait3A_157 : memref<64x64xf32, #tpu.memory_space<hbm>>) dst(%arg8 : memref<64x64xf32, #tpu.memory_space<vmem>>)
        tpu.yield
      }) : () -> ()
      %scan3A_139 = arith.constant 0 : i32
      %scan3A_140 = arith.constant 0 : i32
      %scan3A_141 = arith.constant 4 : i32
      %scan3A_142 = arith.addi %scan3A_140, %scan3A_141 : i32
      %scan3A_143 = arith.constant 1 : i32
      %scan3A_144 = scf.for %scan3A_146 = %scan3A_140 to %scan3A_142 step %scan3A_143 iter_args(%scan3A_147 = %scan3A_139) -> (i32)  : i32 {
        %mul3A_148 = arith.constant 16 : i32
        %mul3A_149 = arith.muli %scan3A_146, %mul3A_148 : i32
        %add3A_150 = vector.broadcast %mul3A_149 : i32 to vector<16xi32>
        %add3A_151 = arith.addi %iota3A, %add3A_150 : vector<16xi32>
        %shift_right_logical3A = arith.constant 1 : i32
        %shift_right_logical3A_152 = vector.broadcast %shift_right_logical3A : i32 to vector<16xi32>
        %shift_right_logical3A_153 = arith.shrui %add3A_151, %shift_right_logical3A_152 : vector<16xi32>
        %and3A = arith.constant 1 : i32
        %and3A_154 = vector.broadcast %and3A : i32 to vector<16xi32>
        %and3A_155 = arith.andi %add3A_151, %and3A_154 : vector<16xi32>
        %mul3A_156 = arith.constant 64 : i32
        %mul3A_157 = vector.broadcast %mul3A_156 : i32 to vector<16xi32>
        %mul3A_158 = arith.muli %and3A_155, %mul3A_157 : vector<16xi32>
        %parallel_loop3A = arith.constant 0 : i32
        %parallel_loop3A_159 = arith.constant 64 : i32
        %parallel_loop3A_160 = arith.constant 1 : i32
        scf.for %parallel_loop3A_162 = %parallel_loop3A to %parallel_loop3A_159 step %parallel_loop3A_160  : i32 {
          %parallel_loop3A_163 = vector.broadcast %parallel_loop3A_162 : i32 to vector<16xi32>
          %parallel_loop3A_164 = arith.addi %iota3A, %parallel_loop3A_163 : vector<16xi32>
          %parallel_loop3A_165 = arith.constant 63 : i32
          %parallel_loop3A_166 = vector.broadcast %parallel_loop3A_165 : i32 to vector<16xi32>
          %parallel_loop3A_167 = arith.andi %parallel_loop3A_164, %parallel_loop3A_166 : vector<16xi32>
          %parallel_loop3A_168 = tpu.vector_load_idx %arg8[%parallel_loop3A_167, %add3A_151] : memref<64x64xf32, #tpu.memory_space<vmem>>[vector<16xi32>, vector<16xi32>], vector<16xf32>,
          %parallel_loop3A_169 = arith.addi %mul3A_158, %parallel_loop3A_167 : vector<16xi32>
          tpu.vector_store_idx %arg9[%shift_right_logical3A_153, %parallel_loop3A_169], %parallel_loop3A_168 : memref<32x128xf32, #tpu.memory_space<vmem>>[vector<16xi32>, vector<16xi32>], vector<16xf32>,
        } {sc.loop_unroll_factor = 8 : i64, sc.parallel_access}
        %scan3A_161 = arith.constant 0 : i32
        scf.yield %scan3A_161 : i32
      }
      %scan3A_145 = arith.constant 4 : i32
      "tpu.region"() ({
        %run_scoped3A = tpu.sem_alloc : memref<!tpu.dma_semaphore, #tpu.memory_space<semaphore_mem>>
        %dma_start3A_146 = arith.constant 499968 : i32
        %dma_start3A_147 = arith.constant 0 : i32
        %dma_start3A_148 = tpu.memref_slice %arg3[%dma_start3A_146, %dma_start3A_147] : memref<500000x128xf32, #tpu.memory_space<hbm>> -> memref<32x128xf32, #tpu.memory_space<hbm>>
        %dma_start3A_149 = arith.constant 499968 : i32
        %dma_start3A_150 = arith.constant 0 : i32
        %dma_start3A_151 = tpu.memref_slice %arg3[%dma_start3A_149, %dma_start3A_150] : memref<500000x128xf32, #tpu.memory_space<hbm>> -> memref<32x128xf32, #tpu.memory_space<hbm>>
        tpu.enqueue_dma source(%arg9 : memref<32x128xf32, #tpu.memory_space<vmem>>) target(%dma_start3A_151 : memref<32x128xf32, #tpu.memory_space<hbm>>) target_semaphore(%run_scoped3A : memref<!tpu.dma_semaphore, #tpu.memory_space<semaphore_mem>>)
        %dma_wait3A_152 = arith.constant 499968 : i32
        %dma_wait3A_153 = arith.constant 0 : i32
        %dma_wait3A_154 = tpu.memref_slice %arg3[%dma_wait3A_152, %dma_wait3A_153] : memref<500000x128xf32, #tpu.memory_space<hbm>> -> memref<32x128xf32, #tpu.memory_space<hbm>>
        %dma_wait3A_155 = arith.constant 499968 : i32
        %dma_wait3A_156 = arith.constant 0 : i32
        %dma_wait3A_157 = tpu.memref_slice %arg3[%dma_wait3A_155, %dma_wait3A_156] : memref<500000x128xf32, #tpu.memory_space<hbm>> -> memref<32x128xf32, #tpu.memory_space<hbm>>
        tpu.wait_dma2 semaphore(%run_scoped3A : memref<!tpu.dma_semaphore, #tpu.memory_space<semaphore_mem>>) src(%arg9 : memref<32x128xf32, #tpu.memory_space<vmem>>) dst(%dma_wait3A_157 : memref<32x128xf32, #tpu.memory_space<hbm>>)
        tpu.yield
      }) : () -> ()
    } else {
    }
    return
  }
}

</mosaic_0001>

<sc_bundles>
// kernel: _relayout.3.cloned.1.call-start
scs
__scs_entry_jumppad:
0x0: {  	(pc) =	sbr.rel $0x88, $3  }
0x1: {  	(tag) =	ssettag $0x0;
	lr =	simm.s32 $0x1  }
0x2: {  	[smem:$0x3FA0] =	sst lr;
	_ =	strace $0xD0000000  }
0x3: {  	_ = 	snop  }
0x4: {  	_ = 	snop  }
0x5: {  	_ = 	snop  }
0x6: {  	_ = 	snop  }
0x7: {  	_ = 	snop  }
__scs_overlays_trampoline_lowered:
0x8: {  	[smem:$0x3FAF] =	sst s0  }
0x9: {  	[smem:$0x3FB0] =	sst s1  }
0xa: {  	[smem:$0x3FB1] =	sst s2  }
0xb: {  	[smem:$0x3FB2] =	sst s3  }
0xc: {  	[smem:$0x3FB3] =	sst s4  }
0xd: {  	[smem:$0x3FB4] =	sst s5  }
0xe: {  	[smem:$0x3FB5] =	sst s6  }
0xf: {  	[smem:$0x3FB6] =	sst s7  }
0x10: {  	[smem:$0x3FB7] =	sst s8  }
0x11: {  	[smem:$0x3FB8] =	sst s9;
	s0 =	simm.s32 @!p0 $0x0  }
0x12: {  	s1 =	sld [smem:$0x3F9E];
	s0 =	simm.s32 @p0 $0x1  }
0x13: {  	[smem:$0x3FB9] =	sst s0;
	s0 =	simm.s32 @!p1 $0x0  }
0x14: {  	s2 =	sld [smem:$0x3F9D];
	s0 =	simm.s32 @p1 $0x1  }
0x15: {  	[smem:$0x3FBA] =	sst s0;
	s0 =	simm.s32 @!p2 $0x0  }
0x16: {  	s3 =	sld [smem:$0x3FDB];
	s0 =	simm.s32 @p2 $0x1  }
0x17: {  	s4 =	simm.s32 $0x1BF5;
	[smem:$0x3FBC] =	sst s0  }
0x18: {  	s0 =	sld [smem:$0x3F9F];
	_ =	swait.ge [sflag:s4], $0x0  }
0x19: {  	s7 =	sld [smem:$0x3FA0]  }
0x1a: {  	s8 =	sadd.s32 $0xFFFFE003, lr  }
0x1b: {  	s9 =	sadd.s32 $0xFFFFFEF7, lr;
	s5 =	simm.s32 $0xFFFFFFFF;
	p2 =	slt.u32 s8, $0xFFFFF086  }
0x1c: {  	p1 =	slt.u32 s9, $0xF7A;
	s5 =	simm.s32 @!p2 $0x0  }
0x1d: {  	s5 =	simm.s32 @p1 $0x1;
	p0 =	seq.s32 s7, s2  }
0x1e: {  	s7 =	smul.u32 @!p0 $0xF7A, s2;
	p2 =	seq.s32 @!p0 s5, $0x0  }
0x1f: {  	s9 =	smul.u32 $0xF7A, s1;
	s8 =	simm.s32 @!p0 $0x1BF5;
	p2 =	por !p2, p0  }
0x20: {  	[sflag:s8] =	ssyncset.s32 @!p0 $0xFFFFF086;
	s6 =	sadd.s32 @!p0 s3, s7;
	s7 =	simm.s32 @!p0 $0x108  }
0x21: {  	s3 =	sadd.s32 s3, s9;
	s6 =	sadd.s32 @!p0 $0x88, s6;
	s7 =	simm.s32 @p2 $0x1082  }
0x22: {  	[simem:s7], [sflag:s8] =	dma.local @!p0 [hbm:s6], $0xF7A  }
0x23: {  	s9 =	sor.u32 $0xD0000000, s2;
	s6 =	simm.s32 $0x108;
	_ =	swait.ge @!p0 [sflag:s8], $0x0  }
0x24: {  	s3 =	sadd.s32 $0x88, s3;
	s6 =	simm.s32 @!p1 $0x1082;
	[sflag:s4] =	ssyncset.s32 $0xFFFFF086  }
0x25: {  	[simem:s6], [sflag:s4] =	dma.local [hbm:s3], $0xF7A  }
0x26: {  	[smem:$0x3FA0] =	sst s1;
	(tag) =	ssettag s2;
	_ =	strace s9  }
0x27: {  	s1 =	sld [smem:$0x3FB0]  }
0x28: {  	s2 =	sld [smem:$0x3FB1]  }
0x29: {  	s4 =	sld [smem:$0x3FB3]  }
0x2a: {  	p0 =	seq.s32 s5, $0x0;
	s5 =	sld [smem:$0x3FB4]  }
0x2b: {  	s6 =	sld [smem:$0x3FB5]  }
0x2c: {  	s7 =	sld [smem:$0x3FB6]  }
0x2d: {  	s3 =	simm.s32 $0x108;
	s8 =	sld [smem:$0x3FB7]  }
0x2e: {  	s3 =	simm.s32 @!p0 $0x1082;
	s9 =	sld [smem:$0x3FB8]  }
0x2f: {  	lr =	sadd.s32 s0, s3;
	s0 =	sld [smem:$0x3FAF]  }
0x30: {  	s3 =	sld [smem:$0x3FB2]  }
0x31: {  	[smem:$0x3FBB] =	sst s10  }
0x32: {  	s10 =	sld [smem:$0x3FB9];
	_ =	sdelay $0x3  }
0x33: {  	p0 =	seq.s32 s10, $0x1;
	s10 =	sld [smem:$0x3FBB];
	_ =	sdelay $0x3  }
0x34: {  	[smem:$0x3FBB] =	sst s10  }
0x35: {  	s10 =	sld [smem:$0x3FBA];
	_ =	sdelay $0x3  }
0x36: {  	p1 =	seq.s32 s10, $0x1;
	s10 =	sld [smem:$0x3FBB];
	_ =	sdelay $0x3  }
0x37: {  	[smem:$0x3FBB] =	sst s10  }
0x38: {  	s10 =	sld [smem:$0x3FBC]  }
0x39: {  	_ = 	snop;
	(pc) =	sbr.ind lr, $3  }
0x3a: {  	_ = 	snop  }
0x3b: {  	_ = 	snop  }
0x3c: {  	p2 =	seq.s32 s10, $0x1;
	s10 =	sld [smem:$0x3FBB]  }
0x3d: {  	_ =	shalt  }
0x3e: {  	_ =	shalt  }
0x3f: {  	_ =	shalt  }
0x40: {  	_ =	shalt  }
0x41: {  	_ =	shalt  }
0x42: {  	_ =	shalt  }
0x43: {  	_ =	shalt  }
0x44: {  	_ =	shalt  }
0x45: {  	_ =	shalt  }
0x46: {  	_ =	shalt  }
0x47: {  	_ =	shalt  }
0x48: {  	_ =	shalt  }
0x49: {  	_ =	shalt  }
0x4a: {  	_ =	shalt  }
0x4b: {  	_ =	shalt  }
0x4c: {  	_ =	shalt  }
0x4d: {  	_ =	shalt  }
0x4e: {  	_ =	shalt  }
0x4f: {  	_ =	shalt  }
0x50: {  	_ =	shalt  }
0x51: {  	_ =	shalt  }
0x52: {  	_ =	shalt  }
0x53: {  	_ =	shalt  }
0x54: {  	_ =	shalt  }
0x55: {  	_ =	shalt  }
0x56: {  	_ =	shalt  }
0x57: {  	_ =	shalt  }
0x58: {  	_ =	shalt  }
0x59: {  	_ =	shalt  }
0x5a: {  	_ =	shalt  }
0x5b: {  	_ =	shalt  }
0x5c: {  	_ =	shalt  }
0x5d: {  	_ =	shalt  }
0x5e: {  	_ =	shalt  }
0x5f: {  	_ =	shalt  }
0x60: {  	_ =	shalt  }
0x61: {  	_ =	shalt  }
0x62: {  	_ =	shalt  }
0x63: {  	_ =	shalt  }
0x64: {  	_ =	shalt  }
0x65: {  	_ =	shalt  }
0x66: {  	_ =	shalt  }
0x67: {  	_ =	shalt  }
0x68: {  	_ =	shalt  }
0x69: {  	_ =	shalt  }
0x6a: {  	_ =	shalt  }
0x6b: {  	_ =	shalt  }
0x6c: {  	_ =	shalt  }
0x6d: {  	_ =	shalt  }
0x6e: {  	_ =	shalt  }
0x6f: {  	_ =	shalt  }
0x70: {  	_ =	shalt  }
0x71: {  	_ =	shalt  }
0x72: {  	_ =	shalt  }
0x73: {  	_ =	shalt  }
0x74: {  	_ =	shalt  }
0x75: {  	_ =	shalt  }
0x76: {  	_ =	shalt  }
0x77: {  	_ =	shalt  }
0x78: {  	_ =	shalt  }
0x79: {  	_ =	shalt  }
0x7a: {  	_ =	shalt  }
0x7b: {  	_ =	shalt  }
0x7c: {  	_ =	shalt  }
0x7d: {  	_ =	shalt  }
0x7e: {  	_ =	shalt  }
0x7f: {  	_ =	shalt  }
0x80: {  	_ =	shalt  }
0x81: {  	_ =	shalt  }
0x82: {  	_ =	shalt  }
0x83: {  	_ =	shalt  }
0x84: {  	_ =	shalt  }
0x85: {  	_ =	shalt  }
0x86: {  	_ =	shalt  }
0x87: {  	_ =	shalt  }
.Lfunc_end0:
.L_simem_size_0:
called_computation_lowered:
.L_overlay_start_0:
0x88: {  	s2 =	sld [smem:$0x3FD9]  }
0x89: {  	s3 =	sld [smem:$0x3FFE];
	_ =	sdelay $0x1  }
0x8a: {  	s1 =	srdreg.scid  }
0x8b: {  	s0 =	sand.u32 $0x1, s1  }
0x8c: {  	s18 =	sshll.u32 s0, $0xA;
	s2 =	sadd.s32 s3, s2  }
0x8d: {  	s2 =	sadd.s32 s2, s18  }
0x8e: {  	[smem:$0x3FC7] =	sst s2  }
0x8f: {  	_ = 	snop  }
0x90: {  	s2 =	sld [smem:$0x3FC9]  }
0x91: {  	s19 =	sld [smem:$0x3FD0];
	(tm) =	ssettm $0x1  }
0x92: {  	s4 =	sld [smem:$0x3FFB];
	_ =	sdelay $0x3  }
0x93: {  	_ =	strace s4  }
0x94: {  	s4 =	sld [smem:$0x3FFC];
	_ =	sdelay $0x3  }
0x95: {  	_ =	strace s4  }
0x96: {  	s4 =	sld [smem:$0x3FFD];
	_ =	sdelay $0x3  }
0x97: {  	_ =	strace s4  }
0x98: {  	_ =	strace $0x8FFFFFFF  }
0x99: {  	s20 =	sld [smem:$0x3FDB];
	_ =	sdelay $0x1  }
0x9a: {  	s5 =	simm.s32 $_scs_section_size  }
0x9b: {  	s6 =	simm.s32 $_size__tile_overlayer_lowered;
	s7 =	simm.s32 $_tile_overlayer_lowered  }
0x9c: {  	s23 =	simm.s32 $0x1BFF;
	s22 =	sshll.u32 s7, $0x1;
	s4 =	sadd.s32 s5, s20  }
0x9d: {  	s8 =	simm.s32 $0x0;
	s21 =	sshll.u32 s6, $0x1;
	s6 =	sadd.s32 s22, s4  }
0x9e: {  	[timem:s8], [sflag:s23] =	dma.local [hbm:s6], s21  }
0x9f: {  	_ =	swait.ge [sflag:s23], s21  }
0xa0: {  	s5 =	ssub.s32 $0x0, s21;
	[sflag:s23] =	ssyncset.done $0x0  }
0xa1: {  	[sflag:s23] =	ssyncadd.s32 s5;
	_ =	sdelay $0x1  }
0xa2: {  	s24 =	simm.s32 $0x1B8B  }
0xa3: {  	_ =	swait.ge [sflag:s24], $0x1  }
0xa4: {  	[sflag:s24] =	ssyncset.done $0x0  }
0xa5: {  	s25 =	simm.s32 $0x1B8E;
	[sflag:s24] =	ssyncadd.s32 $0xFFFFFFFF  }
0xa6: {  	s26 =	simm.s32 $execute0_lowered;
	[smem:$0x3FD2] =	sst s25  }
0xa7: {  	s5 =	sshll.u32 s26, $0x1;
	_ =	strace $0x80000046;
	[dreg:$0x1] =	wrdreg $0xFFFFFFFF  }
0xa8: {  	s28 =	simm.s32 $_size_execute0_lowered;
	s4 =	sadd.s32 s4, s5;
	[dreg:$0x0] =	wrdreg $0x0  }
0xa9: {  	s5 =	sshll.u32 s28, $0x1;
	[dreg:$0x2] =	wrdreg s4  }
0xaa: {  	[dreg:$0x3] =	wrdreg s5  }
0xab: {  	[dreg:$0x4] =	wrdreg $0xC0  }
0xac: {  	_ =	task [dreg:s8], $0x5FFFF  }
0xad: {  	[dreg:$0x1] =	wrdreg $0xFFFFFFFF  }
0xae: {  	[dreg:$0x0] =	wrdreg $0x60  }
0xaf: {  	[dreg:$0x2] =	wrdreg s2  }
0xb0: {  	[dreg:$0x3] =	wrdreg s19  }
0xb1: {  	[dreg:$0x4] =	wrdreg $0x9  }
0xb2: {  	_ =	task.clear_ibuf [dreg:s8], $0x5FFFF;
	_ =	strace $0x90000046  }
0xb3: {  	s29 =	simm.s32 $0x9;
	_ =	strace $0x80000048  }
0xb4: {  	_ =	swait.ge [sflag:s29], $0x1  }
0xb5: {  	[sflag:s29] =	ssyncadd.s32 $0xFFFFFFFF  }
0xb6: {  	_ =	strace $0x90000048  }
0xb7: {  	_ =	sfence  }
0xb8: {  	s30 =	sld [smem:$0x0];
	_ =	sdelay $0x2  }
0xb9: {  	s31 =	sshll.u32 s1, $0xD;
	s1 =	sshrl.u32 s1, $0x2  }
0xba: {  	s3 =	sand.u32 $0x4000, s31;
	s1 =	sadd.s32 s1, s30  }
0xbb: {  	s0 =	sor.u32 s3, s0;
	s1 =	sshll.u32 s1, $0x11  }
0xbc: {  	s0 =	sor.u32 s1, s0  }
0xbd: {  	s0 =	sadd.s32 $0x8F2B, s0  }
0xbe: {  	[sflag:s0] =	ssyncadd.remote.s32 $0x1  }
0xbf: {  	_ =	sfence.sel $0xFFFF  }
0xc0: {  	[dreg:$0x0] =	wrdreg $0xFFFFFFFF;
	(pc) =	sbr.abs _section_cstart, $3  }
0xc1: {  	[dreg:$0x1] =	wrdreg $0xFFFFFFFF  }
0xc2: {  	_ =	task.clear_ibuf [dreg:s8], $0x2FFFF;
	_ =	strace $0x9FFFFFFF  }
0xc3: {  	(tm) =	ssettm $0x7FFFFFFF  }
tec
execute0_lowered:
.L_overlay_start_1:
0x0: {  	(tag) =	ssettag $0x1  }
0x1: {  	s2 =	rddreg [dreg:$0x0]  }
0x2: {  	s3 =	rddreg [dreg:$0x1]  }
0x3: {  	s0 =	srdreg.scid;
	s1 =	stileid.u32  }
0x4: {  	s4 =	simm.s32 $0x0;
	s18 =	simm.s32 $0x800;
	s19 =	simm.s32 $0x7A1400  }
0x5: {  	s20 =	simm.s32 $0x4000;
	s21 =	simm.s32 $0x1;
	s29 =	simm.s32 $0x10000  }
0x6: {  	s30 =	simm.s32 $0x5;
	s31 =	simm.s32 $0x12000;
	s0 =	sand.u32 $0x1, s0  }
0x7: {  	s1 =	sshll.u32 s1, $0x1;
	[smem:$0x7FF] =	sst s4;
	s26 =	sadd.s32 $0xF4200, s2  }
0x8: {  	s28 =	sadd.s32 $0x7A1000, s3;
	_ =	strace $0x80000047;
	[dreg:$0x7] =	wrdreg s26  }
0x9: {  	s6 =	ssub.s32 $0x2, s0;
	s5 =	sor.u32 s0, s1;
	[dreg:$0x8] =	wrdreg s28  }
0xa: {  	s26 =	simm.s32 $0x4;
	s22 =	sshrl.u32 s6, $0x1;
	s1 =	sor.u32 $0x20, s5  }
0xb: {  	s23 =	sshll.u32 s5, $0x8;
	s24 =	sshll.u32 s5, $0xB;
	p0 =	seq.s32 s5, $0x0  }
0xc: {  	s12 =	sor.u32 $0x40, s5;
	s13 =	sor.u32 $0x60, s5;
	s0 =	ssub.s32 s6, s22  }
0xd: {  	s7 =	sshll.u32 s1, $0x8;
	s6 =	sadd.s32 s2, s23;
	s1 =	sshll.u32 s1, $0xB  }
0xe: {  	s22 =	simm.s32 $0x8000;
	s23 =	simm.s32 $0x2;
	s7 =	sadd.s32 s2, s7  }
0xf: {  	s8 =	sadd.s32 $0x4000, s6;
	s1 =	sadd.s32 s3, s1;
	s11 =	sadd.s32 $0x6000, s6  }
.Ltmp0:
0x10: {  	[dreg:$0x3] =	wrdreg s7;
	s7 =	sadd.s32 s3, s24;
	(pc) =	sbr.rel .LBB2_1-.Ltmp0, $4  }
0x11: {  	s17 =	smax.u32 s0, $0x1;
	[dreg:$0x4] =	wrdreg s7;
	s7 =	simm.s32 $0x0  }
0x12: {  	v0 =	vlaneseq.u32;
	s0 =	simm.s32 $0x0;
	[dreg:$0x5] =	wrdreg s8;
	s7 =	simm.s32 @!p0 $0x800  }
0x13: {  	v1 =	vand.u32 $0x7, v0;
	v2 =	vand.u32 $0x1, v0;
	[dreg:$0x6] =	wrdreg s1;
	s24 =	simm.s32 $0xC000;
	s25 =	sadd.s32 s7, s3  }
0x14: {  	v1 =	vmul.u32 $0x80, v1;
	v2 =	vmul.u32 $0x40, v2;
	p0 =	sne.s32 s5, $0x1F;
	s14 =	sadd.s32 $0x7A0000, s25;
	s25 =	simm.s32 $0x3  }
.LBB2_29:
0x15: {  	s0 =	sadd.s32 $0x1, s0  }
0x16: {  	p1 =	sne.s32 s0, s17  }
.Ltmp1:
0x17: {  	_ = 	snop;
	(pc) =	sbr.rel @!p1 .LBB2_30-.Ltmp1, $1  }
0x18: {  	_ =	sdelay $0x3  }
.LBB2_1:
0x19: {  	[tilespmem:s4], [sflag:$0x1] =	stream.strided.gather [hbm4b:s6+s18], $0x4000, s19, s18, $0x38;
	[tilespmem:$0x13000] =	vst v63  }
0x1a: {  	s1 =	rddreg [dreg:$0x3]  }
0x1b: {  	[tilespmem:s20], [sflag:$0x2] =	stream.strided.gather [hbm4b:s1+s18], $0x4000, s19, s18, $0x38;
	[tilespmem:$0x13000] =	vst v63  }
0x1c: {  	_ =	swait.ge [sflag:s21], $0x4000  }
0x1d: {  	[sflag:s21] =	ssyncset.done $0x0  }
0x1e: {  	s1 =	simm.s32 $0x0;
	[sflag:s21] =	ssyncadd.s32 $0xFFFFC000  }
.LBB2_2:
0x1f: {  	s7 =	sshll.u32 s1, $0x4  }
0x20: {  	s8 =	simm.s32 $0x0;
	s9 =	simm.s32 $0x7;
	v3 =	vmov s7;
	v4 =	vor.u32 s7, v0  }
0x21: {  	v8 =	vadd.s32 s8, v0;
	v7 =	vadd.s32 s9, v0;
	v5 =	vand.u32 $0x7F, v4  }
0x22: {  	v3 =	vshll.u32 v3, $0x3;
	v4 =	vshll.u32 v4, $0x6;
	v9 =	vshll.u32 v7, $0x8  }
0x23: {  	s10 =	simm.s32 $0x6;
	v10 =	vshll.u32 v7, $0x7;
	v3 =	vand.u32 $0x400, v3;
	v6 =	vand.u32 $0x3F80, v4  }
0x24: {  	v11 =	vand.u32 $0x3800, v9;
	v12 =	vand.u32 $0x380, v10;
	v9 =	vadd.s32 s10, v0  }
0x25: {  	v4 =	vor.u32 v3, v5;
	v3 =	vor.u32 v2, v6;
	v5 =	vand.u32 $0x3F, v8  }
0x26: {  	v8 =	vshll.u32 v8, $0x8;
	v11 =	vor.u32 v11, v12;
	v12 =	vshll.u32 v9, $0x8  }
0x27: {  	v13 =	vshll.u32 v9, $0x7;
	v6 =	vor.u32 v1, v4;
	v5 =	vor.u32 v5, v3  }
0x28: {  	s8 =	simm.s32 $0x5;
	v8 =	vand.u32 $0x3800, v8;
	v12 =	vand.u32 $0x3800, v12;
	v13 =	vand.u32 $0x380, v13  }
0x29: {  	s15 =	simm.s32 $0x4;
	v10 =	vor.u32 v8, v6;
	v8 =	vadd.s32 s8, v0;
	v16 =	vor.u32 v12, v13  }
0x2a: {  	v12 =	vadd.s32 s15, v0;
	v14 =	vshll.u32 v8, $0x8;
	v15 =	vshll.u32 v8, $0x7  }
0x2b: {  	v17 =	vshll.u32 v12, $0x7;
	v14 =	vand.u32 $0x3800, v14;
	v15 =	vand.u32 $0x380, v15  }
0x2c: {  	s16 =	simm.s32 $0x3;
	v16 =	vor.u32 v4, v16;
	v17 =	vand.u32 $0x380, v17;
	v14 =	vor.u32 v14, v15  }
0x2d: {  	v15 =	vor.u32 v4, v11;
	v11 =	vadd.s32 s16, v0;
	v13 =	vor.u32 v4, v14  }
0x2e: {  	v14 =	vshll.u32 v12, $0x8;
	v18 =	vshll.u32 v11, $0x8;
	v19 =	vshll.u32 v11, $0x7  }
0x2f: {  	s28 =	simm.s32 $0x2;
	v20 =	vand.u32 $0x3800, v14;
	v18 =	vand.u32 $0x3800, v18;
	v19 =	vand.u32 $0x380, v19  }
0x30: {  	v14 =	vadd.s32 s28, v0;
	v18 =	vor.u32 v18, v19;
	v20 =	vor.u32 v20, v17  }
0x31: {  	s7 =	simm.s32 $0x8;
	s8 =	simm.s32 $0x1;
	v19 =	vshll.u32 v14, $0x8;
	v17 =	vor.u32 v4, v18;
	v18 =	vor.u32 v4, v20  }
.LBB2_3:
0x32: {  	p1 =	slt.u32 s7, $0x38;
	v20 =	vadd.s32 s8, v0;
	v19 =	vand.u32 $0x3800, v19;
	v21 =	vshll.u32 v14, $0x7  }
0x33: {  	v22 =	vshll.u32 v20, $0x8;
	v23 =	vshll.u32 v20, $0x7;
	v21 =	vand.u32 $0x380, v21  }
0x34: {  	v10 =	vld.idx.msk [tilespmem:v10+s4+$0x0], $0xffff;
	v22 =	vand.u32 $0x3800, v22;
	v23 =	vand.u32 $0x380, v23;
	v19 =	vor.u32 v19, v21  }
0x35: {  	v7 =	vand.u32 $0x3F, v7;
	v21 =	vor.u32 v22, v23;
	v19 =	vor.u32 v4, v19;
	v15 =	vld.idx.msk [tilespmem:v15+s4+$0x0], $0xffff  }
0x36: {  	v9 =	vand.u32 $0x3F, v9;
	v22 =	vor.u32 v7, v3;
	v21 =	vor.u32 v4, v21;
	v16 =	vld.idx.msk [tilespmem:v16+s4+$0x0], $0xffff  }
0x37: {  	v8 =	vand.u32 $0x3F, v8;
	v9 =	vor.u32 v9, v3;
	v7 =	vadd.s32 s7, v0;
	v13 =	vld.idx.msk [tilespmem:v13+s4+$0x0], $0xffff  }
0x38: {  	v12 =	vand.u32 $0x3F, v12;
	v8 =	vor.u32 v8, v3;
	v23 =	vand.u32 $0x3F, v7;
	v18 =	vld.idx.msk [tilespmem:v18+s4+$0x0], $0xffff  }
0x39: {  	v11 =	vand.u32 $0x3F, v11;
	v12 =	vor.u32 v12, v3;
	v23 =	vor.u32 v23, v3;
	v17 =	vld.idx.msk [tilespmem:v17+s4+$0x0], $0xffff  }
0x3a: {  	s8 =	sadd.s32 $0x7, s7;
	v25 =	vand.u32 $0x3F, v14;
	v11 =	vor.u32 v11, v3;
	v24 =	vshll.u32 v7, $0x8;
	[tilespmem:v5+s22+$0x0] =	vst.idx.msk $0xffff, v10;
	v14 =	vld.idx.msk [tilespmem:v19+s4+$0x0], $0xffff  }
0x3b: {  	v7 =	vadd.s32 s8, v0;
	v10 =	vand.u32 $0x3F, v20;
	v20 =	vor.u32 v25, v3;
	v19 =	vld.idx.msk [tilespmem:v21+s4+$0x0], $0xffff;
	[tilespmem:v22+s22+$0x0] =	vst.idx.msk $0xffff, v15  }
0x3c: {  	v5 =	vmovc v23;
	v15 =	vshll.u32 v7, $0x8;
	v21 =	vshll.u32 v7, $0x7;
	v22 =	vor.u32 v10, v3;
	[tilespmem:v9+s22+$0x0] =	vst.idx.msk $0xffff, v16  }
0x3d: {  	s8 =	sadd.s32 $0x6, s7;
	v9 =	vand.u32 $0x3800, v24;
	v15 =	vand.u32 $0x3800, v15;
	v16 =	vand.u32 $0x380, v21;
	[tilespmem:v8+s22+$0x0] =	vst.idx.msk $0xffff, v13  }
0x3e: {  	s9 =	sadd.s32 $0x5, s7;
	v10 =	vor.u32 v9, v6;
	v9 =	vadd.s32 s8, v0;
	v13 =	vor.u32 v15, v16;
	[tilespmem:v12+s22+$0x0] =	vst.idx.msk $0xffff, v18  }
0x3f: {  	v8 =	vadd.s32 s9, v0;
	v12 =	vshll.u32 v9, $0x8;
	v15 =	vshll.u32 v9, $0x7;
	[tilespmem:v11+s22+$0x0] =	vst.idx.msk $0xffff, v17  }
0x40: {  	v16 =	vshll.u32 v8, $0x7;
	v11 =	vshll.u32 v8, $0x8;
	v12 =	vand.u32 $0x3800, v12;
	[tilespmem:v20+s22+$0x0] =	vst.idx.msk $0xffff, v14  }
0x41: {  	v15 =	vand.u32 $0x380, v15;
	v11 =	vand.u32 $0x3800, v11;
	v14 =	vand.u32 $0x380, v16;
	[tilespmem:v22+s22+$0x0] =	vst.idx.msk $0xffff, v19  }
0x42: {  	s8 =	sadd.s32 $0x4, s7;
	v11 =	vor.u32 v11, v14;
	v14 =	vor.u32 v12, v15;
	v15 =	vor.u32 v4, v13  }
0x43: {  	s9 =	sadd.s32 $0x3, s7;
	v12 =	vadd.s32 s8, v0;
	v13 =	vor.u32 v4, v11;
	v16 =	vor.u32 v4, v14  }
.Ltmp2:
0x44: {  	v11 =	vadd.s32 s9, v0;
	v14 =	vshll.u32 v12, $0x8;
	v17 =	vshll.u32 v12, $0x7;
	(pc) =	sbr.rel @p1 .LBB2_3-.Ltmp2, $4  }
0x45: {  	v18 =	vshll.u32 v11, $0x8;
	v19 =	vshll.u32 v11, $0x7;
	v20 =	vand.u32 $0x3800, v14  }
0x46: {  	s8 =	sadd.s32 $0x2, s7;
	v17 =	vand.u32 $0x380, v17;
	v18 =	vand.u32 $0x3800, v18;
	v19 =	vand.u32 $0x380, v19  }
0x47: {  	v14 =	vadd.s32 s8, v0;
	v20 =	vor.u32 v20, v17;
	v18 =	vor.u32 v18, v19  }
0x48: {  	s8 =	sadd.s32 $0x1, s7;
	s7 =	sadd.s32 $0x8, s7;
	v19 =	vshll.u32 v14, $0x8;
	v17 =	vor.u32 v4, v18;
	v18 =	vor.u32 v4, v20  }
0x49: {  	_ = 	snop  }
0x4a: {  	v6 =	vadd.s32 s8, v0;
	v19 =	vand.u32 $0x3800, v19  }
0x4b: {  	v20 =	vshll.u32 v14, $0x7;
	v7 =	vand.u32 $0x3F, v7;
	v9 =	vand.u32 $0x3F, v9  }
0x4c: {  	v21 =	vshll.u32 v6, $0x8;
	v22 =	vshll.u32 v6, $0x7;
	v20 =	vand.u32 $0x380, v20  }
0x4d: {  	v10 =	vld.idx.msk [tilespmem:v10+s4+$0x0], $0xffff;
	v21 =	vand.u32 $0x3800, v21;
	v22 =	vand.u32 $0x380, v22;
	v19 =	vor.u32 v19, v20  }
0x4e: {  	v15 =	vld.idx.msk [tilespmem:v15+s4+$0x0], $0xffff;
	v7 =	vor.u32 v7, v3;
	v59 =	vor.u32 v21, v22;
	v19 =	vor.u32 v4, v19  }
0x4f: {  	v16 =	vld.idx.msk [tilespmem:v16+s4+$0x0], $0xffff;
	v8 =	vand.u32 $0x3F, v8;
	v9 =	vor.u32 v9, v3;
	v60 =	vor.u32 v4, v59  }
0x50: {  	v13 =	vld.idx.msk [tilespmem:v13+s4+$0x0], $0xffff;
	v12 =	vand.u32 $0x3F, v12;
	v8 =	vor.u32 v8, v3  }
0x51: {  	v18 =	vld.idx.msk [tilespmem:v18+s4+$0x0], $0xffff;
	v11 =	vand.u32 $0x3F, v11;
	v12 =	vor.u32 v12, v3  }
0x52: {  	v17 =	vld.idx.msk [tilespmem:v17+s4+$0x0], $0xffff;
	v61 =	vand.u32 $0x3F, v14;
	v62 =	vor.u32 v11, v3;
	[tilespmem:v5+s22+$0x0] =	vst.idx.msk $0xffff, v10  }
0x53: {  	s1 =	sadd.s32 $0x1, s1;
	v6 =	vand.u32 $0x3F, v6;
	v5 =	vor.u32 v61, v3;
	[tilespmem:v7+s22+$0x0] =	vst.idx.msk $0xffff, v15;
	v63 =	vld.idx.msk [tilespmem:v19+s4+$0x0], $0xffff  }
0x54: {  	p1 =	sne.s32 s1, $0x10;
	v3 =	vor.u32 v6, v3;
	[tilespmem:v9+s22+$0x0] =	vst.idx.msk $0xffff, v16;
	v4 =	vld.idx.msk [tilespmem:v60+s4+$0x0], $0xffff  }
.Ltmp3:
0x55: {  	[tilespmem:v8+s22+$0x0] =	vst.idx.msk $0xffff, v13;
	(pc) =	sbr.rel @p1 .LBB2_2-.Ltmp3, $4  }
0x56: {  	[tilespmem:v12+s22+$0x0] =	vst.idx.msk $0xffff, v18  }
0x57: {  	[tilespmem:v62+s22+$0x0] =	vst.idx.msk $0xffff, v17  }
0x58: {  	[tilespmem:v5+s22+$0x0] =	vst.idx.msk $0xffff, v63  }
0x59: {  	[tilespmem:v3+s22+$0x0] =	vst.idx.msk $0xffff, v4  }
0x5a: {  	s1 =	simm.s32 $0x0;
	s7 =	rddreg [dreg:$0x4]  }
0x5b: {  	[hbm4b:s7+s1] =	stream.linear.scatter [tilespmem:s22], [sflag:$0x3], $0x4000, $0x38;
	[tilespmem:$0x13000] =	vst v63  }
0x5c: {  	s28 =	rddreg [dreg:$0x5]  }
0x5d: {  	[tilespmem:s1], [sflag:$0x1] =	stream.strided.gather [hbm4b:s28+s18], $0x4000, s19, s18, $0x38;
	[tilespmem:$0x13000] =	vst v63  }
0x5e: {  	_ =	swait.ge [sflag:s23], $0x4000  }
0x5f: {  	[sflag:s23] =	ssyncset.done $0x0  }
0x60: {  	s15 =	simm.s32 $0x0;
	[sflag:s23] =	ssyncadd.s32 $0xFFFFC000  }
.LBB2_6:
0x61: {  	s7 =	sshll.u32 s15, $0x4  }
0x62: {  	v8 =	vadd.s32 s1, v0;
	s8 =	simm.s32 $0x7;
	v4 =	vor.u32 s7, v0  }
0x63: {  	v3 =	vmov s7;
	v7 =	vadd.s32 s8, v0;
	v5 =	vand.u32 $0x7F, v4  }
0x64: {  	v3 =	vshll.u32 v3, $0x3;
	v4 =	vshll.u32 v4, $0x6;
	v9 =	vshll.u32 v7, $0x8  }
0x65: {  	s9 =	simm.s32 $0x6;
	v10 =	vshll.u32 v7, $0x7;
	v3 =	vand.u32 $0x400, v3;
	v6 =	vand.u32 $0x3F80, v4  }
0x66: {  	v11 =	vand.u32 $0x3800, v9;
	v12 =	vand.u32 $0x380, v10;
	v9 =	vadd.s32 s9, v0  }
0x67: {  	v4 =	vor.u32 v3, v5;
	v3 =	vor.u32 v2, v6;
	v5 =	vand.u32 $0x3F, v8  }
0x68: {  	v8 =	vshll.u32 v8, $0x8;
	v11 =	vor.u32 v11, v12;
	v12 =	vshll.u32 v9, $0x8  }
0x69: {  	v13 =	vshll.u32 v9, $0x7;
	v6 =	vor.u32 v1, v4;
	v5 =	vor.u32 v5, v3  }
0x6a: {  	s8 =	simm.s32 $0x5;
	v8 =	vand.u32 $0x3800, v8;
	v12 =	vand.u32 $0x3800, v12;
	v13 =	vand.u32 $0x380, v13  }
0x6b: {  	s10 =	simm.s32 $0x4;
	v10 =	vor.u32 v8, v6;
	v8 =	vadd.s32 s8, v0;
	v16 =	vor.u32 v12, v13  }
0x6c: {  	v12 =	vadd.s32 s10, v0;
	v14 =	vshll.u32 v8, $0x8;
	v15 =	vshll.u32 v8, $0x7  }
0x6d: {  	v17 =	vshll.u32 v12, $0x7;
	v14 =	vand.u32 $0x3800, v14;
	v15 =	vand.u32 $0x380, v15  }
0x6e: {  	s16 =	simm.s32 $0x3;
	v16 =	vor.u32 v4, v16;
	v17 =	vand.u32 $0x380, v17;
	v14 =	vor.u32 v14, v15  }
0x6f: {  	v15 =	vor.u32 v4, v11;
	v11 =	vadd.s32 s16, v0;
	v13 =	vor.u32 v4, v14  }
0x70: {  	v14 =	vshll.u32 v12, $0x8;
	v18 =	vshll.u32 v11, $0x8;
	v19 =	vshll.u32 v11, $0x7  }
0x71: {  	s28 =	simm.s32 $0x2;
	v20 =	vand.u32 $0x3800, v14;
	v18 =	vand.u32 $0x3800, v18;
	v19 =	vand.u32 $0x380, v19  }
0x72: {  	v14 =	vadd.s32 s28, v0;
	v18 =	vor.u32 v18, v19;
	v20 =	vor.u32 v20, v17  }
0x73: {  	s7 =	simm.s32 $0x8;
	s8 =	simm.s32 $0x1;
	v19 =	vshll.u32 v14, $0x8;
	v17 =	vor.u32 v4, v18;
	v18 =	vor.u32 v4, v20  }
.LBB2_7:
0x74: {  	p1 =	slt.u32 s7, $0x38;
	v20 =	vadd.s32 s8, v0;
	v19 =	vand.u32 $0x3800, v19;
	v21 =	vshll.u32 v14, $0x7  }
0x75: {  	v22 =	vshll.u32 v20, $0x8;
	v23 =	vshll.u32 v20, $0x7;
	v21 =	vand.u32 $0x380, v21  }
0x76: {  	v10 =	vld.idx.msk [tilespmem:v10+s20+$0x0], $0xffff;
	v22 =	vand.u32 $0x3800, v22;
	v23 =	vand.u32 $0x380, v23;
	v19 =	vor.u32 v19, v21  }
0x77: {  	v7 =	vand.u32 $0x3F, v7;
	v21 =	vor.u32 v22, v23;
	v19 =	vor.u32 v4, v19;
	v15 =	vld.idx.msk [tilespmem:v15+s20+$0x0], $0xffff  }
0x78: {  	v9 =	vand.u32 $0x3F, v9;
	v22 =	vor.u32 v7, v3;
	v21 =	vor.u32 v4, v21;
	v16 =	vld.idx.msk [tilespmem:v16+s20+$0x0], $0xffff  }
0x79: {  	v8 =	vand.u32 $0x3F, v8;
	v9 =	vor.u32 v9, v3;
	v7 =	vadd.s32 s7, v0;
	v13 =	vld.idx.msk [tilespmem:v13+s20+$0x0], $0xffff  }
0x7a: {  	v12 =	vand.u32 $0x3F, v12;
	v8 =	vor.u32 v8, v3;
	v23 =	vand.u32 $0x3F, v7;
	v18 =	vld.idx.msk [tilespmem:v18+s20+$0x0], $0xffff  }
0x7b: {  	v11 =	vand.u32 $0x3F, v11;
	v12 =	vor.u32 v12, v3;
	v23 =	vor.u32 v23, v3;
	v17 =	vld.idx.msk [tilespmem:v17+s20+$0x0], $0xffff  }
0x7c: {  	s8 =	sadd.s32 $0x7, s7;
	v25 =	vand.u32 $0x3F, v14;
	v11 =	vor.u32 v11, v3;
	v24 =	vshll.u32 v7, $0x8;
	[tilespmem:v5+s24+$0x0] =	vst.idx.msk $0xffff, v10;
	v14 =	vld.idx.msk [tilespmem:v19+s20+$0x0], $0xffff  }
0x7d: {  	v7 =	vadd.s32 s8, v0;
	v10 =	vand.u32 $0x3F, v20;
	v20 =	vor.u32 v25, v3;
	v19 =	vld.idx.msk [tilespmem:v21+s20+$0x0], $0xffff;
	[tilespmem:v22+s24+$0x0] =	vst.idx.msk $0xffff, v15  }
0x7e: {  	v5 =	vmovc v23;
	v15 =	vshll.u32 v7, $0x8;
	v21 =	vshll.u32 v7, $0x7;
	v22 =	vor.u32 v10, v3;
	[tilespmem:v9+s24+$0x0] =	vst.idx.msk $0xffff, v16  }
0x7f: {  	s8 =	sadd.s32 $0x6, s7;
	v9 =	vand.u32 $0x3800, v24;
	v15 =	vand.u32 $0x3800, v15;
	v16 =	vand.u32 $0x380, v21;
	[tilespmem:v8+s24+$0x0] =	vst.idx.msk $0xffff, v13  }
0x80: {  	s9 =	sadd.s32 $0x5, s7;
	v10 =	vor.u32 v9, v6;
	v9 =	vadd.s32 s8, v0;
	v13 =	vor.u32 v15, v16;
	[tilespmem:v12+s24+$0x0] =	vst.idx.msk $0xffff, v18  }
0x81: {  	v8 =	vadd.s32 s9, v0;
	v12 =	vshll.u32 v9, $0x8;
	v15 =	vshll.u32 v9, $0x7;
	[tilespmem:v11+s24+$0x0] =	vst.idx.msk $0xffff, v17  }
0x82: {  	v16 =	vshll.u32 v8, $0x7;
	v11 =	vshll.u32 v8, $0x8;
	v12 =	vand.u32 $0x3800, v12;
	[tilespmem:v20+s24+$0x0] =	vst.idx.msk $0xffff, v14  }
0x83: {  	v15 =	vand.u32 $0x380, v15;
	v11 =	vand.u32 $0x3800, v11;
	v14 =	vand.u32 $0x380, v16;
	[tilespmem:v22+s24+$0x0] =	vst.idx.msk $0xffff, v19  }
0x84: {  	s8 =	sadd.s32 $0x4, s7;
	v11 =	vor.u32 v11, v14;
	v14 =	vor.u32 v12, v15;
	v15 =	vor.u32 v4, v13  }
0x85: {  	s9 =	sadd.s32 $0x3, s7;
	v12 =	vadd.s32 s8, v0;
	v13 =	vor.u32 v4, v11;
	v16 =	vor.u32 v4, v14  }
.Ltmp4:
0x86: {  	v11 =	vadd.s32 s9, v0;
	v14 =	vshll.u32 v12, $0x8;
	v17 =	vshll.u32 v12, $0x7;
	(pc) =	sbr.rel @p1 .LBB2_7-.Ltmp4, $4  }
0x87: {  	v18 =	vshll.u32 v11, $0x8;
	v19 =	vshll.u32 v11, $0x7;
	v20 =	vand.u32 $0x3800, v14  }
0x88: {  	s8 =	sadd.s32 $0x2, s7;
	v17 =	vand.u32 $0x380, v17;
	v18 =	vand.u32 $0x3800, v18;
	v19 =	vand.u32 $0x380, v19  }
0x89: {  	v14 =	vadd.s32 s8, v0;
	v20 =	vor.u32 v20, v17;
	v18 =	vor.u32 v18, v19  }
0x8a: {  	s8 =	sadd.s32 $0x1, s7;
	s7 =	sadd.s32 $0x8, s7;
	v19 =	vshll.u32 v14, $0x8;
	v17 =	vor.u32 v4, v18;
	v18 =	vor.u32 v4, v20  }
0x8b: {  	_ = 	snop  }
0x8c: {  	v6 =	vadd.s32 s8, v0;
	v19 =	vand.u32 $0x3800, v19  }
0x8d: {  	v20 =	vshll.u32 v14, $0x7;
	v7 =	vand.u32 $0x3F, v7;
	v9 =	vand.u32 $0x3F, v9  }
0x8e: {  	v21 =	vshll.u32 v6, $0x8;
	v22 =	vshll.u32 v6, $0x7;
	v20 =	vand.u32 $0x380, v20  }
0x8f: {  	v10 =	vld.idx.msk [tilespmem:v10+s20+$0x0], $0xffff;
	v21 =	vand.u32 $0x3800, v21;
	v22 =	vand.u32 $0x380, v22;
	v19 =	vor.u32 v19, v20  }
0x90: {  	v15 =	vld.idx.msk [tilespmem:v15+s20+$0x0], $0xffff;
	v7 =	vor.u32 v7, v3;
	v59 =	vor.u32 v21, v22;
	v19 =	vor.u32 v4, v19  }
0x91: {  	v16 =	vld.idx.msk [tilespmem:v16+s20+$0x0], $0xffff;
	v8 =	vand.u32 $0x3F, v8;
	v9 =	vor.u32 v9, v3;
	v60 =	vor.u32 v4, v59  }
0x92: {  	v13 =	vld.idx.msk [tilespmem:v13+s20+$0x0], $0xffff;
	v12 =	vand.u32 $0x3F, v12;
	v8 =	vor.u32 v8, v3  }
0x93: {  	v18 =	vld.idx.msk [tilespmem:v18+s20+$0x0], $0xffff;
	v11 =	vand.u32 $0x3F, v11;
	v12 =	vor.u32 v12, v3  }
0x94: {  	v17 =	vld.idx.msk [tilespmem:v17+s20+$0x0], $0xffff;
	v61 =	vand.u32 $0x3F, v14;
	v62 =	vor.u32 v11, v3;
	[tilespmem:v5+s24+$0x0] =	vst.idx.msk $0xffff, v10  }
0x95: {  	s15 =	sadd.s32 $0x1, s15;
	v6 =	vand.u32 $0x3F, v6;
	v5 =	vor.u32 v61, v3;
	[tilespmem:v7+s24+$0x0] =	vst.idx.msk $0xffff, v15;
	v63 =	vld.idx.msk [tilespmem:v19+s20+$0x0], $0xffff  }
0x96: {  	p1 =	sne.s32 s15, $0x10;
	v3 =	vor.u32 v6, v3;
	[tilespmem:v9+s24+$0x0] =	vst.idx.msk $0xffff, v16;
	v4 =	vld.idx.msk [tilespmem:v60+s20+$0x0], $0xffff  }
.Ltmp5:
0x97: {  	[tilespmem:v8+s24+$0x0] =	vst.idx.msk $0xffff, v13;
	(pc) =	sbr.rel @p1 .LBB2_6-.Ltmp5, $4  }
0x98: {  	[tilespmem:v12+s24+$0x0] =	vst.idx.msk $0xffff, v18  }
0x99: {  	[tilespmem:v62+s24+$0x0] =	vst.idx.msk $0xffff, v17  }
0x9a: {  	[tilespmem:v5+s24+$0x0] =	vst.idx.msk $0xffff, v63  }
0x9b: {  	[tilespmem:v3+s24+$0x0] =	vst.idx.msk $0xffff, v4  }
0x9c: {  	s1 =	rddreg [dreg:$0x6]  }
0x9d: {  	[hbm4b:s1+s4] =	stream.linear.scatter [tilespmem:s24], [sflag:$0x4], $0x4000, $0x38;
	[tilespmem:$0x13000] =	vst v63  }
0x9e: {  	s1 =	simm.s32 $0x1  }
0x9f: {  	[tilespmem:s20], [sflag:$0x2] =	stream.strided.gather [hbm4b:s11+s18], $0x4000, s19, s18, $0x38;
	[tilespmem:$0x13000] =	vst v63  }
.LBB2_10:
0xa0: {  	_ =	swait.ge [sflag:s21], $0x4000  }
0xa1: {  	[sflag:s21] =	ssyncset.done $0x0  }
0xa2: {  	[sflag:s21] =	ssyncadd.s32 $0xFFFFC000  }
0xa3: {  	_ =	swait.ge [sflag:s25], $0x4000  }
0xa4: {  	[sflag:s25] =	ssyncset.done $0x0  }
0xa5: {  	s15 =	simm.s32 $0x0;
	s16 =	simm.s32 $0x0;
	[sflag:s25] =	ssyncadd.s32 $0xFFFFC000  }
.LBB2_11:
0xa6: {  	s7 =	sshll.u32 s16, $0x4  }
0xa7: {  	v8 =	vadd.s32 s15, v0;
	s10 =	simm.s32 $0x7;
	v4 =	vor.u32 s7, v0  }
0xa8: {  	v3 =	vmov s7;
	v7 =	vadd.s32 s10, v0;
	v5 =	vand.u32 $0x7F, v4  }
0xa9: {  	v3 =	vshll.u32 v3, $0x3;
	v4 =	vshll.u32 v4, $0x6;
	v9 =	vshll.u32 v7, $0x8  }
0xaa: {  	s28 =	simm.s32 $0x6;
	v10 =	vshll.u32 v7, $0x7;
	v3 =	vand.u32 $0x400, v3;
	v6 =	vand.u32 $0x3F80, v4  }
0xab: {  	v11 =	vand.u32 $0x3800, v9;
	v12 =	vand.u32 $0x380, v10;
	v9 =	vadd.s32 s28, v0  }
0xac: {  	v4 =	vor.u32 v3, v5;
	v3 =	vor.u32 v2, v6;
	v5 =	vand.u32 $0x3F, v8  }
0xad: {  	v8 =	vshll.u32 v8, $0x8;
	v11 =	vor.u32 v11, v12;
	v12 =	vshll.u32 v9, $0x8  }
0xae: {  	v13 =	vshll.u32 v9, $0x7;
	v6 =	vor.u32 v1, v4;
	v5 =	vor.u32 v5, v3  }
0xaf: {  	s8 =	simm.s32 $0x5;
	v8 =	vand.u32 $0x3800, v8;
	v12 =	vand.u32 $0x3800, v12;
	v13 =	vand.u32 $0x380, v13  }
0xb0: {  	s9 =	simm.s32 $0x4;
	v10 =	vor.u32 v8, v6;
	v8 =	vadd.s32 s8, v0;
	v16 =	vor.u32 v12, v13  }
0xb1: {  	v12 =	vadd.s32 s9, v0;
	v14 =	vshll.u32 v8, $0x8;
	v15 =	vshll.u32 v8, $0x7  }
0xb2: {  	v17 =	vshll.u32 v12, $0x7;
	v14 =	vand.u32 $0x3800, v14;
	v15 =	vand.u32 $0x380, v15  }
0xb3: {  	s10 =	simm.s32 $0x3;
	v16 =	vor.u32 v4, v16;
	v17 =	vand.u32 $0x380, v17;
	v14 =	vor.u32 v14, v15  }
0xb4: {  	v15 =	vor.u32 v4, v11;
	v11 =	vadd.s32 s10, v0;
	v13 =	vor.u32 v4, v14  }
0xb5: {  	v14 =	vshll.u32 v12, $0x8;
	v18 =	vshll.u32 v11, $0x8;
	v19 =	vshll.u32 v11, $0x7  }
0xb6: {  	s28 =	simm.s32 $0x2;
	v20 =	vand.u32 $0x3800, v14;
	v18 =	vand.u32 $0x3800, v18;
	v19 =	vand.u32 $0x380, v19  }
0xb7: {  	v14 =	vadd.s32 s28, v0;
	v18 =	vor.u32 v18, v19;
	v20 =	vor.u32 v20, v17  }
0xb8: {  	s7 =	simm.s32 $0x8;
	s8 =	simm.s32 $0x1;
	v19 =	vshll.u32 v14, $0x8;
	v17 =	vor.u32 v4, v18;
	v18 =	vor.u32 v4, v20  }
.LBB2_12:
0xb9: {  	p1 =	slt.u32 s7, $0x38;
	v20 =	vadd.s32 s8, v0;
	v19 =	vand.u32 $0x3800, v19;
	v21 =	vshll.u32 v14, $0x7  }
0xba: {  	v22 =	vshll.u32 v20, $0x8;
	v23 =	vshll.u32 v20, $0x7;
	v21 =	vand.u32 $0x380, v21  }
0xbb: {  	v10 =	vld.idx.msk [tilespmem:v10+s4+$0x0], $0xffff;
	v22 =	vand.u32 $0x3800, v22;
	v23 =	vand.u32 $0x380, v23;
	v19 =	vor.u32 v19, v21  }
0xbc: {  	v7 =	vand.u32 $0x3F, v7;
	v21 =	vor.u32 v22, v23;
	v19 =	vor.u32 v4, v19;
	v15 =	vld.idx.msk [tilespmem:v15+s4+$0x0], $0xffff  }
0xbd: {  	v9 =	vand.u32 $0x3F, v9;
	v22 =	vor.u32 v7, v3;
	v21 =	vor.u32 v4, v21;
	v16 =	vld.idx.msk [tilespmem:v16+s4+$0x0], $0xffff  }
0xbe: {  	v8 =	vand.u32 $0x3F, v8;
	v9 =	vor.u32 v9, v3;
	v7 =	vadd.s32 s7, v0;
	v13 =	vld.idx.msk [tilespmem:v13+s4+$0x0], $0xffff  }
0xbf: {  	v12 =	vand.u32 $0x3F, v12;
	v8 =	vor.u32 v8, v3;
	v23 =	vand.u32 $0x3F, v7;
	v18 =	vld.idx.msk [tilespmem:v18+s4+$0x0], $0xffff  }
0xc0: {  	v11 =	vand.u32 $0x3F, v11;
	v12 =	vor.u32 v12, v3;
	v23 =	vor.u32 v23, v3;
	v17 =	vld.idx.msk [tilespmem:v17+s4+$0x0], $0xffff  }
0xc1: {  	s8 =	sadd.s32 $0x7, s7;
	v25 =	vand.u32 $0x3F, v14;
	v11 =	vor.u32 v11, v3;
	v24 =	vshll.u32 v7, $0x8;
	[tilespmem:v5+s22+$0x0] =	vst.idx.msk $0xffff, v10;
	v14 =	vld.idx.msk [tilespmem:v19+s4+$0x0], $0xffff  }
0xc2: {  	v7 =	vadd.s32 s8, v0;
	v10 =	vand.u32 $0x3F, v20;
	v20 =	vor.u32 v25, v3;
	v19 =	vld.idx.msk [tilespmem:v21+s4+$0x0], $0xffff;
	[tilespmem:v22+s22+$0x0] =	vst.idx.msk $0xffff, v15  }
0xc3: {  	v5 =	vmovc v23;
	v15 =	vshll.u32 v7, $0x8;
	v21 =	vshll.u32 v7, $0x7;
	v22 =	vor.u32 v10, v3;
	[tilespmem:v9+s22+$0x0] =	vst.idx.msk $0xffff, v16  }
0xc4: {  	s8 =	sadd.s32 $0x6, s7;
	v9 =	vand.u32 $0x3800, v24;
	v15 =	vand.u32 $0x3800, v15;
	v16 =	vand.u32 $0x380, v21;
	[tilespmem:v8+s22+$0x0] =	vst.idx.msk $0xffff, v13  }
0xc5: {  	s9 =	sadd.s32 $0x5, s7;
	v10 =	vor.u32 v9, v6;
	v9 =	vadd.s32 s8, v0;
	v13 =	vor.u32 v15, v16;
	[tilespmem:v12+s22+$0x0] =	vst.idx.msk $0xffff, v18  }
0xc6: {  	v8 =	vadd.s32 s9, v0;
	v12 =	vshll.u32 v9, $0x8;
	v15 =	vshll.u32 v9, $0x7;
	[tilespmem:v11+s22+$0x0] =	vst.idx.msk $0xffff, v17  }
0xc7: {  	v16 =	vshll.u32 v8, $0x7;
	v11 =	vshll.u32 v8, $0x8;
	v12 =	vand.u32 $0x3800, v12;
	[tilespmem:v20+s22+$0x0] =	vst.idx.msk $0xffff, v14  }
0xc8: {  	v15 =	vand.u32 $0x380, v15;
	v11 =	vand.u32 $0x3800, v11;
	v14 =	vand.u32 $0x380, v16;
	[tilespmem:v22+s22+$0x0] =	vst.idx.msk $0xffff, v19  }
0xc9: {  	s8 =	sadd.s32 $0x4, s7;
	v11 =	vor.u32 v11, v14;
	v14 =	vor.u32 v12, v15;
	v15 =	vor.u32 v4, v13  }
0xca: {  	s9 =	sadd.s32 $0x3, s7;
	v12 =	vadd.s32 s8, v0;
	v13 =	vor.u32 v4, v11;
	v16 =	vor.u32 v4, v14  }
.Ltmp6:
0xcb: {  	v11 =	vadd.s32 s9, v0;
	v14 =	vshll.u32 v12, $0x8;
	v17 =	vshll.u32 v12, $0x7;
	(pc) =	sbr.rel @p1 .LBB2_12-.Ltmp6, $4  }
0xcc: {  	v18 =	vshll.u32 v11, $0x8;
	v19 =	vshll.u32 v11, $0x7;
	v20 =	vand.u32 $0x3800, v14  }
0xcd: {  	s8 =	sadd.s32 $0x2, s7;
	v17 =	vand.u32 $0x380, v17;
	v18 =	vand.u32 $0x3800, v18;
	v19 =	vand.u32 $0x380, v19  }
0xce: {  	v14 =	vadd.s32 s8, v0;
	v20 =	vor.u32 v20, v17;
	v18 =	vor.u32 v18, v19  }
0xcf: {  	s8 =	sadd.s32 $0x1, s7;
	s7 =	sadd.s32 $0x8, s7;
	v19 =	vshll.u32 v14, $0x8;
	v17 =	vor.u32 v4, v18;
	v18 =	vor.u32 v4, v20  }
0xd0: {  	_ = 	snop  }
0xd1: {  	v6 =	vadd.s32 s8, v0;
	v19 =	vand.u32 $0x3800, v19  }
0xd2: {  	v20 =	vshll.u32 v14, $0x7;
	v7 =	vand.u32 $0x3F, v7;
	v9 =	vand.u32 $0x3F, v9  }
0xd3: {  	v21 =	vshll.u32 v6, $0x8;
	v22 =	vshll.u32 v6, $0x7;
	v20 =	vand.u32 $0x380, v20  }
0xd4: {  	v10 =	vld.idx.msk [tilespmem:v10+s4+$0x0], $0xffff;
	v21 =	vand.u32 $0x3800, v21;
	v22 =	vand.u32 $0x380, v22;
	v19 =	vor.u32 v19, v20  }
0xd5: {  	v15 =	vld.idx.msk [tilespmem:v15+s4+$0x0], $0xffff;
	v7 =	vor.u32 v7, v3;
	v59 =	vor.u32 v21, v22;
	v19 =	vor.u32 v4, v19  }
0xd6: {  	v16 =	vld.idx.msk [tilespmem:v16+s4+$0x0], $0xffff;
	v8 =	vand.u32 $0x3F, v8;
	v9 =	vor.u32 v9, v3;
	v60 =	vor.u32 v4, v59  }
0xd7: {  	v13 =	vld.idx.msk [tilespmem:v13+s4+$0x0], $0xffff;
	v12 =	vand.u32 $0x3F, v12;
	v8 =	vor.u32 v8, v3  }
0xd8: {  	v18 =	vld.idx.msk [tilespmem:v18+s4+$0x0], $0xffff;
	v11 =	vand.u32 $0x3F, v11;
	v12 =	vor.u32 v12, v3  }
0xd9: {  	v17 =	vld.idx.msk [tilespmem:v17+s4+$0x0], $0xffff;
	v61 =	vand.u32 $0x3F, v14;
	v62 =	vor.u32 v11, v3;
	[tilespmem:v5+s22+$0x0] =	vst.idx.msk $0xffff, v10  }
0xda: {  	s16 =	sadd.s32 $0x1, s16;
	v6 =	vand.u32 $0x3F, v6;
	v5 =	vor.u32 v61, v3;
	[tilespmem:v7+s22+$0x0] =	vst.idx.msk $0xffff, v15;
	v63 =	vld.idx.msk [tilespmem:v19+s4+$0x0], $0xffff  }
0xdb: {  	p1 =	sne.s32 s16, $0x10;
	v3 =	vor.u32 v6, v3;
	[tilespmem:v9+s22+$0x0] =	vst.idx.msk $0xffff, v16;
	v4 =	vld.idx.msk [tilespmem:v60+s4+$0x0], $0xffff  }
.Ltmp7:
0xdc: {  	[tilespmem:v8+s22+$0x0] =	vst.idx.msk $0xffff, v13;
	(pc) =	sbr.rel @p1 .LBB2_11-.Ltmp7, $4  }
0xdd: {  	[tilespmem:v12+s22+$0x0] =	vst.idx.msk $0xffff, v18  }
0xde: {  	[tilespmem:v62+s22+$0x0] =	vst.idx.msk $0xffff, v17  }
0xdf: {  	[tilespmem:v5+s22+$0x0] =	vst.idx.msk $0xffff, v63  }
0xe0: {  	[tilespmem:v3+s22+$0x0] =	vst.idx.msk $0xffff, v4  }
0xe1: {  	s28 =	sshll.u32 s1, $0x6  }
0xe2: {  	s7 =	sor.u32 s5, s28  }
0xe3: {  	s15 =	sshll.u32 s7, $0xB  }
0xe4: {  	s16 =	simm.s32 $0x0;
	s10 =	sadd.s32 s12, s28;
	s7 =	sadd.s32 s3, s15  }
0xe5: {  	[hbm4b:s7+s16] =	stream.linear.scatter [tilespmem:s22], [sflag:$0x3], $0x4000, $0x38;
	[tilespmem:$0x13000] =	vst v63  }
0xe6: {  	s7 =	smin.u32 s10, $0xF41  }
0xe7: {  	s7 =	sshll.u32 s7, $0x8  }
0xe8: {  	s7 =	sadd.s32 s2, s7  }
0xe9: {  	[tilespmem:s16], [sflag:$0x1] =	stream.strided.gather [hbm4b:s7+s18], $0x4000, s19, s18, $0x38;
	[tilespmem:$0x13000] =	vst v63  }
0xea: {  	_ =	swait.ge [sflag:s23], $0x4000  }
0xeb: {  	[sflag:s23] =	ssyncset.done $0x0  }
0xec: {  	[sflag:s23] =	ssyncadd.s32 $0xFFFFC000  }
0xed: {  	_ =	swait.ge [sflag:s26], $0x4000  }
0xee: {  	[sflag:s26] =	ssyncset.done $0x0  }
0xef: {  	s7 =	simm.s32 $0x0;
	[sflag:s26] =	ssyncadd.s32 $0xFFFFC000  }
.LBB2_15:
0xf0: {  	s8 =	sshll.u32 s7, $0x4  }
0xf1: {  	v8 =	vadd.s32 s16, v0;
	s9 =	simm.s32 $0x7;
	v4 =	vor.u32 s8, v0  }
0xf2: {  	v3 =	vmov s8;
	v7 =	vadd.s32 s9, v0;
	v5 =	vand.u32 $0x7F, v4  }
0xf3: {  	v3 =	vshll.u32 v3, $0x3;
	v4 =	vshll.u32 v4, $0x6;
	v9 =	vshll.u32 v7, $0x8  }
0xf4: {  	s10 =	simm.s32 $0x6;
	v10 =	vshll.u32 v7, $0x7;
	v3 =	vand.u32 $0x400, v3;
	v6 =	vand.u32 $0x3F80, v4  }
0xf5: {  	v11 =	vand.u32 $0x3800, v9;
	v12 =	vand.u32 $0x380, v10;
	v9 =	vadd.s32 s10, v0  }
0xf6: {  	v4 =	vor.u32 v3, v5;
	v3 =	vor.u32 v2, v6;
	v5 =	vand.u32 $0x3F, v8  }
0xf7: {  	v8 =	vshll.u32 v8, $0x8;
	v11 =	vor.u32 v11, v12;
	v12 =	vshll.u32 v9, $0x8  }
0xf8: {  	v13 =	vshll.u32 v9, $0x7;
	v6 =	vor.u32 v1, v4;
	v5 =	vor.u32 v5, v3  }
0xf9: {  	s9 =	simm.s32 $0x5;
	v8 =	vand.u32 $0x3800, v8;
	v12 =	vand.u32 $0x3800, v12;
	v13 =	vand.u32 $0x380, v13  }
0xfa: {  	v10 =	vor.u32 v8, v6;
	v8 =	vadd.s32 s9, v0;
	s9 =	simm.s32 $0x4;
	v16 =	vor.u32 v12, v13  }
0xfb: {  	v14 =	vshll.u32 v8, $0x8;
	v15 =	vshll.u32 v8, $0x7;
	v12 =	vadd.s32 s9, v0  }
0xfc: {  	v16 =	vor.u32 v4, v16;
	v14 =	vand.u32 $0x3800, v14;
	v15 =	vand.u32 $0x380, v15  }
0xfd: {  	s10 =	simm.s32 $0x3;
	v17 =	vshll.u32 v12, $0x7;
	v14 =	vor.u32 v14, v15;
	v15 =	vor.u32 v4, v11  }
0xfe: {  	v11 =	vadd.s32 s10, v0;
	v17 =	vand.u32 $0x380, v17;
	v13 =	vor.u32 v4, v14  }
0xff: {  	v14 =	vshll.u32 v12, $0x8;
	v18 =	vshll.u32 v11, $0x8;
	v19 =	vshll.u32 v11, $0x7  }
0x100: {  	s10 =	simm.s32 $0x2;
	v20 =	vand.u32 $0x3800, v14;
	v18 =	vand.u32 $0x3800, v18;
	v19 =	vand.u32 $0x380, v19  }
0x101: {  	v14 =	vadd.s32 s10, v0;
	v18 =	vor.u32 v18, v19;
	v20 =	vor.u32 v20, v17  }
0x102: {  	s8 =	simm.s32 $0x8;
	s9 =	simm.s32 $0x1;
	v19 =	vshll.u32 v14, $0x8;
	v17 =	vor.u32 v4, v18;
	v18 =	vor.u32 v4, v20  }
.LBB2_16:
0x103: {  	p1 =	slt.u32 s8, $0x38;
	v20 =	vadd.s32 s9, v0;
	v19 =	vand.u32 $0x3800, v19;
	v21 =	vshll.u32 v14, $0x7  }
0x104: {  	v22 =	vshll.u32 v20, $0x8;
	v23 =	vshll.u32 v20, $0x7;
	v21 =	vand.u32 $0x380, v21  }
0x105: {  	v10 =	vld.idx.msk [tilespmem:v10+s20+$0x0], $0xffff;
	v22 =	vand.u32 $0x3800, v22;
	v23 =	vand.u32 $0x380, v23;
	v19 =	vor.u32 v19, v21  }
0x106: {  	v7 =	vand.u32 $0x3F, v7;
	v21 =	vor.u32 v22, v23;
	v19 =	vor.u32 v4, v19;
	v15 =	vld.idx.msk [tilespmem:v15+s20+$0x0], $0xffff  }
0x107: {  	v9 =	vand.u32 $0x3F, v9;
	v22 =	vor.u32 v7, v3;
	v21 =	vor.u32 v4, v21;
	v16 =	vld.idx.msk [tilespmem:v16+s20+$0x0], $0xffff  }
0x108: {  	v8 =	vand.u32 $0x3F, v8;
	v9 =	vor.u32 v9, v3;
	v7 =	vadd.s32 s8, v0;
	v13 =	vld.idx.msk [tilespmem:v13+s20+$0x0], $0xffff  }
0x109: {  	v12 =	vand.u32 $0x3F, v12;
	v8 =	vor.u32 v8, v3;
	v23 =	vand.u32 $0x3F, v7;
	v18 =	vld.idx.msk [tilespmem:v18+s20+$0x0], $0xffff  }
0x10a: {  	v11 =	vand.u32 $0x3F, v11;
	v12 =	vor.u32 v12, v3;
	v23 =	vor.u32 v23, v3;
	v17 =	vld.idx.msk [tilespmem:v17+s20+$0x0], $0xffff  }
0x10b: {  	s9 =	sadd.s32 $0x7, s8;
	v25 =	vand.u32 $0x3F, v14;
	v11 =	vor.u32 v11, v3;
	v24 =	vshll.u32 v7, $0x8;
	[tilespmem:v5+s24+$0x0] =	vst.idx.msk $0xffff, v10;
	v14 =	vld.idx.msk [tilespmem:v19+s20+$0x0], $0xffff  }
0x10c: {  	v7 =	vadd.s32 s9, v0;
	v10 =	vand.u32 $0x3F, v20;
	v20 =	vor.u32 v25, v3;
	v19 =	vld.idx.msk [tilespmem:v21+s20+$0x0], $0xffff;
	[tilespmem:v22+s24+$0x0] =	vst.idx.msk $0xffff, v15  }
0x10d: {  	v5 =	vmovc v23;
	v15 =	vshll.u32 v7, $0x8;
	v21 =	vshll.u32 v7, $0x7;
	v22 =	vor.u32 v10, v3;
	[tilespmem:v9+s24+$0x0] =	vst.idx.msk $0xffff, v16  }
0x10e: {  	s9 =	sadd.s32 $0x6, s8;
	v9 =	vand.u32 $0x3800, v24;
	v15 =	vand.u32 $0x3800, v15;
	v16 =	vand.u32 $0x380, v21;
	[tilespmem:v8+s24+$0x0] =	vst.idx.msk $0xffff, v13  }
0x10f: {  	s10 =	sadd.s32 $0x5, s8;
	v10 =	vor.u32 v9, v6;
	v9 =	vadd.s32 s9, v0;
	v13 =	vor.u32 v15, v16;
	[tilespmem:v12+s24+$0x0] =	vst.idx.msk $0xffff, v18  }
0x110: {  	v8 =	vadd.s32 s10, v0;
	v12 =	vshll.u32 v9, $0x8;
	v15 =	vshll.u32 v9, $0x7;
	[tilespmem:v11+s24+$0x0] =	vst.idx.msk $0xffff, v17  }
0x111: {  	v16 =	vshll.u32 v8, $0x7;
	v11 =	vshll.u32 v8, $0x8;
	v12 =	vand.u32 $0x3800, v12;
	[tilespmem:v20+s24+$0x0] =	vst.idx.msk $0xffff, v14  }
0x112: {  	v15 =	vand.u32 $0x380, v15;
	v11 =	vand.u32 $0x3800, v11;
	v14 =	vand.u32 $0x380, v16;
	[tilespmem:v22+s24+$0x0] =	vst.idx.msk $0xffff, v19  }
0x113: {  	s9 =	sadd.s32 $0x4, s8;
	v11 =	vor.u32 v11, v14;
	v14 =	vor.u32 v12, v15;
	v15 =	vor.u32 v4, v13  }
0x114: {  	s10 =	sadd.s32 $0x3, s8;
	v12 =	vadd.s32 s9, v0;
	v13 =	vor.u32 v4, v11;
	v16 =	vor.u32 v4, v14  }
.Ltmp8:
0x115: {  	v11 =	vadd.s32 s10, v0;
	v14 =	vshll.u32 v12, $0x8;
	v17 =	vshll.u32 v12, $0x7;
	(pc) =	sbr.rel @p1 .LBB2_16-.Ltmp8, $4  }
0x116: {  	v18 =	vshll.u32 v11, $0x8;
	v19 =	vshll.u32 v11, $0x7;
	v20 =	vand.u32 $0x3800, v14  }
0x117: {  	s9 =	sadd.s32 $0x2, s8;
	v17 =	vand.u32 $0x380, v17;
	v18 =	vand.u32 $0x3800, v18;
	v19 =	vand.u32 $0x380, v19  }
0x118: {  	v14 =	vadd.s32 s9, v0;
	v20 =	vor.u32 v20, v17;
	v18 =	vor.u32 v18, v19  }
0x119: {  	s9 =	sadd.s32 $0x1, s8;
	s8 =	sadd.s32 $0x8, s8;
	v19 =	vshll.u32 v14, $0x8;
	v17 =	vor.u32 v4, v18;
	v18 =	vor.u32 v4, v20  }
0x11a: {  	_ = 	snop  }
0x11b: {  	v6 =	vadd.s32 s9, v0;
	v19 =	vand.u32 $0x3800, v19  }
0x11c: {  	v20 =	vshll.u32 v14, $0x7;
	v7 =	vand.u32 $0x3F, v7;
	v9 =	vand.u32 $0x3F, v9  }
0x11d: {  	v21 =	vshll.u32 v6, $0x8;
	v22 =	vshll.u32 v6, $0x7;
	v20 =	vand.u32 $0x380, v20  }
0x11e: {  	v10 =	vld.idx.msk [tilespmem:v10+s20+$0x0], $0xffff;
	v21 =	vand.u32 $0x3800, v21;
	v22 =	vand.u32 $0x380, v22;
	v19 =	vor.u32 v19, v20  }
0x11f: {  	v15 =	vld.idx.msk [tilespmem:v15+s20+$0x0], $0xffff;
	v7 =	vor.u32 v7, v3;
	v59 =	vor.u32 v21, v22;
	v19 =	vor.u32 v4, v19  }
0x120: {  	v16 =	vld.idx.msk [tilespmem:v16+s20+$0x0], $0xffff;
	v8 =	vand.u32 $0x3F, v8;
	v9 =	vor.u32 v9, v3;
	v60 =	vor.u32 v4, v59  }
0x121: {  	v13 =	vld.idx.msk [tilespmem:v13+s20+$0x0], $0xffff;
	v12 =	vand.u32 $0x3F, v12;
	v8 =	vor.u32 v8, v3  }
0x122: {  	v18 =	vld.idx.msk [tilespmem:v18+s20+$0x0], $0xffff;
	v11 =	vand.u32 $0x3F, v11;
	v12 =	vor.u32 v12, v3  }
0x123: {  	v17 =	vld.idx.msk [tilespmem:v17+s20+$0x0], $0xffff;
	v61 =	vand.u32 $0x3F, v14;
	v62 =	vor.u32 v11, v3;
	[tilespmem:v5+s24+$0x0] =	vst.idx.msk $0xffff, v10  }
0x124: {  	s7 =	sadd.s32 $0x1, s7;
	v6 =	vand.u32 $0x3F, v6;
	v5 =	vor.u32 v61, v3;
	[tilespmem:v7+s24+$0x0] =	vst.idx.msk $0xffff, v15;
	v63 =	vld.idx.msk [tilespmem:v19+s20+$0x0], $0xffff  }
0x125: {  	p1 =	sne.s32 s7, $0x10;
	v3 =	vor.u32 v6, v3;
	[tilespmem:v9+s24+$0x0] =	vst.idx.msk $0xffff, v16;
	v4 =	vld.idx.msk [tilespmem:v60+s20+$0x0], $0xffff  }
.Ltmp9:
0x126: {  	[tilespmem:v8+s24+$0x0] =	vst.idx.msk $0xffff, v13;
	(pc) =	sbr.rel @p1 .LBB2_15-.Ltmp9, $4  }
0x127: {  	[tilespmem:v12+s24+$0x0] =	vst.idx.msk $0xffff, v18  }
0x128: {  	[tilespmem:v62+s24+$0x0] =	vst.idx.msk $0xffff, v17  }
0x129: {  	[tilespmem:v5+s24+$0x0] =	vst.idx.msk $0xffff, v63  }
0x12a: {  	[tilespmem:v3+s24+$0x0] =	vst.idx.msk $0xffff, v4  }
0x12b: {  	s7 =	sadd.s32 s15, s3;
	s1 =	sadd.s32 $0x1, s1  }
0x12c: {  	s7 =	sadd.s32 $0x10000, s7;
	p1 =	sne.s32 s1, $0x3D  }
0x12d: {  	[hbm4b:s7+s4] =	stream.linear.scatter [tilespmem:s24], [sflag:$0x4], $0x4000, $0x38;
	[tilespmem:$0x13000] =	vst v63  }
.Ltmp10:
0x12e: {  	s28 =	sadd.s32 s13, s28;
	(pc) =	sbr.rel @p1 .LBB2_10-.Ltmp10, $4  }
0x12f: {  	s7 =	smin.u32 s28, $0xF41  }
0x130: {  	s7 =	sshll.u32 s7, $0x8  }
0x131: {  	s7 =	sadd.s32 s2, s7  }
0x132: {  	[tilespmem:s20], [sflag:$0x2] =	stream.strided.gather [hbm4b:s7+s18], $0x4000, s19, s18, $0x38;
	[tilespmem:$0x13000] =	vst v63  }
0x133: {  	_ =	swait.ge [sflag:s21], $0x4000  }
0x134: {  	[sflag:s21] =	ssyncset.done $0x0  }
0x135: {  	[sflag:s21] =	ssyncadd.s32 $0xFFFFC000  }
0x136: {  	_ =	swait.ge [sflag:s25], $0x4000  }
0x137: {  	[sflag:s25] =	ssyncset.done $0x0  }
0x138: {  	s1 =	simm.s32 $0x0;
	s7 =	simm.s32 $0x0;
	[sflag:s25] =	ssyncadd.s32 $0xFFFFC000  }
.LBB2_20:
0x139: {  	s8 =	sshll.u32 s7, $0x4  }
0x13a: {  	v8 =	vadd.s32 s1, v0;
	s9 =	simm.s32 $0x7;
	v4 =	vor.u32 s8, v0  }
0x13b: {  	v3 =	vmov s8;
	v7 =	vadd.s32 s9, v0;
	v5 =	vand.u32 $0x7F, v4  }
0x13c: {  	v3 =	vshll.u32 v3, $0x3;
	v4 =	vshll.u32 v4, $0x6;
	v9 =	vshll.u32 v7, $0x8  }
0x13d: {  	s10 =	simm.s32 $0x6;
	v10 =	vshll.u32 v7, $0x7;
	v3 =	vand.u32 $0x400, v3;
	v6 =	vand.u32 $0x3F80, v4  }
0x13e: {  	v11 =	vand.u32 $0x3800, v9;
	v12 =	vand.u32 $0x380, v10;
	v9 =	vadd.s32 s10, v0  }
0x13f: {  	v4 =	vor.u32 v3, v5;
	v3 =	vor.u32 v2, v6;
	v5 =	vand.u32 $0x3F, v8  }
0x140: {  	v8 =	vshll.u32 v8, $0x8;
	v11 =	vor.u32 v11, v12;
	v12 =	vshll.u32 v9, $0x8  }
0x141: {  	v13 =	vshll.u32 v9, $0x7;
	v6 =	vor.u32 v1, v4;
	v5 =	vor.u32 v5, v3  }
0x142: {  	s9 =	simm.s32 $0x5;
	v8 =	vand.u32 $0x3800, v8;
	v12 =	vand.u32 $0x3800, v12;
	v13 =	vand.u32 $0x380, v13  }
0x143: {  	s15 =	simm.s32 $0x4;
	v10 =	vor.u32 v8, v6;
	v8 =	vadd.s32 s9, v0;
	v16 =	vor.u32 v12, v13  }
0x144: {  	v12 =	vadd.s32 s15, v0;
	v14 =	vshll.u32 v8, $0x8;
	v15 =	vshll.u32 v8, $0x7  }
0x145: {  	v17 =	vshll.u32 v12, $0x7;
	v14 =	vand.u32 $0x3800, v14;
	v15 =	vand.u32 $0x380, v15  }
0x146: {  	s16 =	simm.s32 $0x3;
	v16 =	vor.u32 v4, v16;
	v17 =	vand.u32 $0x380, v17;
	v14 =	vor.u32 v14, v15  }
0x147: {  	v15 =	vor.u32 v4, v11;
	v11 =	vadd.s32 s16, v0;
	v13 =	vor.u32 v4, v14  }
0x148: {  	v14 =	vshll.u32 v12, $0x8;
	v18 =	vshll.u32 v11, $0x8;
	v19 =	vshll.u32 v11, $0x7  }
0x149: {  	s28 =	simm.s32 $0x2;
	v20 =	vand.u32 $0x3800, v14;
	v18 =	vand.u32 $0x3800, v18;
	v19 =	vand.u32 $0x380, v19  }
0x14a: {  	v14 =	vadd.s32 s28, v0;
	v18 =	vor.u32 v18, v19;
	v20 =	vor.u32 v20, v17  }
0x14b: {  	s8 =	simm.s32 $0x8;
	s9 =	simm.s32 $0x1;
	v19 =	vshll.u32 v14, $0x8;
	v17 =	vor.u32 v4, v18;
	v18 =	vor.u32 v4, v20  }
.LBB2_21:
0x14c: {  	p1 =	slt.u32 s8, $0x38;
	v20 =	vadd.s32 s9, v0;
	v19 =	vand.u32 $0x3800, v19;
	v21 =	vshll.u32 v14, $0x7  }
0x14d: {  	v22 =	vshll.u32 v20, $0x8;
	v23 =	vshll.u32 v20, $0x7;
	v21 =	vand.u32 $0x380, v21  }
0x14e: {  	v10 =	vld.idx.msk [tilespmem:v10+s4+$0x0], $0xffff;
	v22 =	vand.u32 $0x3800, v22;
	v23 =	vand.u32 $0x380, v23;
	v19 =	vor.u32 v19, v21  }
0x14f: {  	v7 =	vand.u32 $0x3F, v7;
	v21 =	vor.u32 v22, v23;
	v19 =	vor.u32 v4, v19;
	v15 =	vld.idx.msk [tilespmem:v15+s4+$0x0], $0xffff  }
0x150: {  	v9 =	vand.u32 $0x3F, v9;
	v22 =	vor.u32 v7, v3;
	v21 =	vor.u32 v4, v21;
	v16 =	vld.idx.msk [tilespmem:v16+s4+$0x0], $0xffff  }
0x151: {  	v8 =	vand.u32 $0x3F, v8;
	v9 =	vor.u32 v9, v3;
	v7 =	vadd.s32 s8, v0;
	v13 =	vld.idx.msk [tilespmem:v13+s4+$0x0], $0xffff  }
0x152: {  	v12 =	vand.u32 $0x3F, v12;
	v8 =	vor.u32 v8, v3;
	v23 =	vand.u32 $0x3F, v7;
	v18 =	vld.idx.msk [tilespmem:v18+s4+$0x0], $0xffff  }
0x153: {  	v11 =	vand.u32 $0x3F, v11;
	v12 =	vor.u32 v12, v3;
	v23 =	vor.u32 v23, v3;
	v17 =	vld.idx.msk [tilespmem:v17+s4+$0x0], $0xffff  }
0x154: {  	s9 =	sadd.s32 $0x7, s8;
	v25 =	vand.u32 $0x3F, v14;
	v11 =	vor.u32 v11, v3;
	v24 =	vshll.u32 v7, $0x8;
	[tilespmem:v5+s22+$0x0] =	vst.idx.msk $0xffff, v10;
	v14 =	vld.idx.msk [tilespmem:v19+s4+$0x0], $0xffff  }
0x155: {  	v7 =	vadd.s32 s9, v0;
	v10 =	vand.u32 $0x3F, v20;
	v20 =	vor.u32 v25, v3;
	v19 =	vld.idx.msk [tilespmem:v21+s4+$0x0], $0xffff;
	[tilespmem:v22+s22+$0x0] =	vst.idx.msk $0xffff, v15  }
0x156: {  	v5 =	vmovc v23;
	v15 =	vshll.u32 v7, $0x8;
	v21 =	vshll.u32 v7, $0x7;
	v22 =	vor.u32 v10, v3;
	[tilespmem:v9+s22+$0x0] =	vst.idx.msk $0xffff, v16  }
0x157: {  	s9 =	sadd.s32 $0x6, s8;
	v9 =	vand.u32 $0x3800, v24;
	v15 =	vand.u32 $0x3800, v15;
	v16 =	vand.u32 $0x380, v21;
	[tilespmem:v8+s22+$0x0] =	vst.idx.msk $0xffff, v13  }
0x158: {  	s10 =	sadd.s32 $0x5, s8;
	v10 =	vor.u32 v9, v6;
	v9 =	vadd.s32 s9, v0;
	v13 =	vor.u32 v15, v16;
	[tilespmem:v12+s22+$0x0] =	vst.idx.msk $0xffff, v18  }
0x159: {  	v8 =	vadd.s32 s10, v0;
	v12 =	vshll.u32 v9, $0x8;
	v15 =	vshll.u32 v9, $0x7;
	[tilespmem:v11+s22+$0x0] =	vst.idx.msk $0xffff, v17  }
0x15a: {  	v16 =	vshll.u32 v8, $0x7;
	v11 =	vshll.u32 v8, $0x8;
	v12 =	vand.u32 $0x3800, v12;
	[tilespmem:v20+s22+$0x0] =	vst.idx.msk $0xffff, v14  }
0x15b: {  	v15 =	vand.u32 $0x380, v15;
	v11 =	vand.u32 $0x3800, v11;
	v14 =	vand.u32 $0x380, v16;
	[tilespmem:v22+s22+$0x0] =	vst.idx.msk $0xffff, v19  }
0x15c: {  	s9 =	sadd.s32 $0x4, s8;
	v11 =	vor.u32 v11, v14;
	v14 =	vor.u32 v12, v15;
	v15 =	vor.u32 v4, v13  }
0x15d: {  	s10 =	sadd.s32 $0x3, s8;
	v12 =	vadd.s32 s9, v0;
	v13 =	vor.u32 v4, v11;
	v16 =	vor.u32 v4, v14  }
.Ltmp11:
0x15e: {  	v11 =	vadd.s32 s10, v0;
	v14 =	vshll.u32 v12, $0x8;
	v17 =	vshll.u32 v12, $0x7;
	(pc) =	sbr.rel @p1 .LBB2_21-.Ltmp11, $4  }
0x15f: {  	v18 =	vshll.u32 v11, $0x8;
	v19 =	vshll.u32 v11, $0x7;
	v20 =	vand.u32 $0x3800, v14  }
0x160: {  	s9 =	sadd.s32 $0x2, s8;
	v17 =	vand.u32 $0x380, v17;
	v18 =	vand.u32 $0x3800, v18;
	v19 =	vand.u32 $0x380, v19  }
0x161: {  	v14 =	vadd.s32 s9, v0;
	v20 =	vor.u32 v20, v17;
	v18 =	vor.u32 v18, v19  }
0x162: {  	s9 =	sadd.s32 $0x1, s8;
	s8 =	sadd.s32 $0x8, s8;
	v19 =	vshll.u32 v14, $0x8;
	v17 =	vor.u32 v4, v18;
	v18 =	vor.u32 v4, v20  }
0x163: {  	_ = 	snop  }
0x164: {  	v6 =	vadd.s32 s9, v0;
	v19 =	vand.u32 $0x3800, v19  }
0x165: {  	v20 =	vshll.u32 v14, $0x7;
	v7 =	vand.u32 $0x3F, v7;
	v9 =	vand.u32 $0x3F, v9  }
0x166: {  	v21 =	vshll.u32 v6, $0x8;
	v22 =	vshll.u32 v6, $0x7;
	v20 =	vand.u32 $0x380, v20  }
0x167: {  	v10 =	vld.idx.msk [tilespmem:v10+s4+$0x0], $0xffff;
	v21 =	vand.u32 $0x3800, v21;
	v22 =	vand.u32 $0x380, v22;
	v19 =	vor.u32 v19, v20  }
0x168: {  	v15 =	vld.idx.msk [tilespmem:v15+s4+$0x0], $0xffff;
	v7 =	vor.u32 v7, v3;
	v59 =	vor.u32 v21, v22;
	v19 =	vor.u32 v4, v19  }
0x169: {  	v16 =	vld.idx.msk [tilespmem:v16+s4+$0x0], $0xffff;
	v8 =	vand.u32 $0x3F, v8;
	v9 =	vor.u32 v9, v3;
	v60 =	vor.u32 v4, v59  }
0x16a: {  	v13 =	vld.idx.msk [tilespmem:v13+s4+$0x0], $0xffff;
	v12 =	vand.u32 $0x3F, v12;
	v8 =	vor.u32 v8, v3  }
0x16b: {  	v18 =	vld.idx.msk [tilespmem:v18+s4+$0x0], $0xffff;
	v11 =	vand.u32 $0x3F, v11;
	v12 =	vor.u32 v12, v3  }
0x16c: {  	v17 =	vld.idx.msk [tilespmem:v17+s4+$0x0], $0xffff;
	v61 =	vand.u32 $0x3F, v14;
	v62 =	vor.u32 v11, v3;
	[tilespmem:v5+s22+$0x0] =	vst.idx.msk $0xffff, v10  }
0x16d: {  	s7 =	sadd.s32 $0x1, s7;
	v6 =	vand.u32 $0x3F, v6;
	v5 =	vor.u32 v61, v3;
	[tilespmem:v7+s22+$0x0] =	vst.idx.msk $0xffff, v15;
	v63 =	vld.idx.msk [tilespmem:v19+s4+$0x0], $0xffff  }
0x16e: {  	p1 =	sne.s32 s7, $0x10;
	v3 =	vor.u32 v6, v3;
	[tilespmem:v9+s22+$0x0] =	vst.idx.msk $0xffff, v16;
	v4 =	vld.idx.msk [tilespmem:v60+s4+$0x0], $0xffff  }
.Ltmp12:
0x16f: {  	[tilespmem:v8+s22+$0x0] =	vst.idx.msk $0xffff, v13;
	(pc) =	sbr.rel @p1 .LBB2_20-.Ltmp12, $4  }
0x170: {  	[tilespmem:v12+s22+$0x0] =	vst.idx.msk $0xffff, v18  }
0x171: {  	[tilespmem:v62+s22+$0x0] =	vst.idx.msk $0xffff, v17  }
0x172: {  	[tilespmem:v5+s22+$0x0] =	vst.idx.msk $0xffff, v63  }
0x173: {  	[tilespmem:v3+s22+$0x0] =	vst.idx.msk $0xffff, v4  }
0x174: {  	[hbm4b:s14+s4] =	stream.linear.scatter [tilespmem:s22], [sflag:$0x3], $0x4000, $0x38;
	[tilespmem:$0x13000] =	vst v63  }
0x175: {  	_ =	swait.ge [sflag:s23], $0x4000  }
0x176: {  	[sflag:s23] =	ssyncset.done $0x0  }
0x177: {  	[sflag:s23] =	ssyncadd.s32 $0xFFFFC000  }
0x178: {  	_ =	swait.ge [sflag:s25], $0x4000  }
.Ltmp13:
0x179: {  	[sflag:s25] =	ssyncset.done $0x0;
	(pc) =	sbr.rel @p0 .LBB2_29-.Ltmp13, $4  }
0x17a: {  	[sflag:s25] =	ssyncadd.s32 $0xFFFFC000  }
0x17b: {  	_ =	swait.ge [sflag:s26], $0x4000  }
0x17c: {  	[sflag:s26] =	ssyncset.done $0x0  }
0x17d: {  	[sflag:s26] =	ssyncadd.s32 $0xFFFFC000  }
0x17e: {  	s1 =	rddreg [dreg:$0x7];
	s7 =	simm.s32 $0x400  }
0x17f: {  	[tilespmem:s29], [sflag:$0x5] =	stream.strided.gather [hbm4b:s1+s7], $0x2000, s19, s7, $0x38;
	[tilespmem:$0x13000] =	vst v63  }
0x180: {  	_ =	swait.ge [sflag:s30], $0x2000  }
0x181: {  	[sflag:s30] =	ssyncset.done $0x0  }
0x182: {  	s1 =	simm.s32 $0x0;
	s7 =	simm.s32 $0x0;
	[sflag:s30] =	ssyncadd.s32 $0xFFFFE000  }
.LBB2_25:
0x183: {  	s8 =	sshll.u32 s7, $0x4;
	v5 =	vadd.s32 s1, v0;
	s15 =	simm.s32 $0x7  }
0x184: {  	s16 =	simm.s32 $0x6;
	s9 =	simm.s32 $0x5;
	s28 =	simm.s32 $0x4;
	v4 =	vor.u32 s8, v0;
	v5 =	vand.u32 $0x3F, v5;
	v6 =	vadd.s32 s15, v0  }
0x185: {  	s10 =	simm.s32 $0x2;
	v9 =	vadd.s32 s16, v0;
	v10 =	vadd.s32 s9, v0;
	v11 =	vadd.s32 s28, v0  }
0x186: {  	v16 =	vadd.s32 s10, v0;
	v3 =	vshll.u32 v4, $0x6;
	v7 =	vshll.u32 v5, $0x7  }
0x187: {  	s9 =	simm.s32 $0x3;
	s15 =	simm.s32 $0x1;
	v6 =	vand.u32 $0x3F, v6;
	v9 =	vand.u32 $0x3F, v9;
	v10 =	vand.u32 $0x3F, v10  }
0x188: {  	v11 =	vand.u32 $0x3F, v11;
	v14 =	vadd.s32 s9, v0;
	v17 =	vadd.s32 s15, v0  }
0x189: {  	v7 =	vadd.s32 v4, v7;
	v8 =	vshll.u32 v6, $0x7;
	v14 =	vand.u32 $0x3F, v14  }
0x18a: {  	v16 =	vand.u32 $0x3F, v16;
	v8 =	vadd.s32 v4, v8;
	v18 =	vshll.u32 v14, $0x7  }
0x18b: {  	v3 =	vand.u32 $0xF80, v3;
	v12 =	vshll.u32 v9, $0x7;
	v18 =	vadd.s32 v4, v18  }
0x18c: {  	v13 =	vshll.u32 v10, $0x7;
	v15 =	vshll.u32 v11, $0x7;
	v12 =	vadd.s32 v4, v12  }
0x18d: {  	v17 =	vand.u32 $0x3F, v17;
	v3 =	vor.u32 v2, v3;
	v13 =	vadd.s32 v4, v13  }
0x18e: {  	v19 =	vshll.u32 v16, $0x7;
	v15 =	vadd.s32 v4, v15;
	v21 =	vor.u32 v5, v3;
	v20 =	vld.idx.msk [tilespmem:v7+s29+$0x0], $0xffff  }
0x18f: {  	v19 =	vadd.s32 v4, v19;
	v5 =	vshll.u32 v17, $0x7;
	v24 =	vor.u32 v6, v3;
	v22 =	vld.idx.msk [tilespmem:v8+s29+$0x0], $0xffff  }
0x190: {  	s9 =	simm.s32 $0xE;
	v25 =	vor.u32 v9, v3;
	v14 =	vor.u32 v14, v3;
	v23 =	vadd.s32 v4, v5;
	v18 =	vld.idx.msk [tilespmem:v18+s29+$0x0], $0xffff  }
0x191: {  	s28 =	simm.s32 $0xF;
	s10 =	simm.s32 $0xD;
	s15 =	simm.s32 $0xC;
	v27 =	vor.u32 v10, v3;
	v29 =	vor.u32 v11, v3;
	v9 =	vadd.s32 s9, v0;
	v12 =	vld.idx.msk [tilespmem:v12+s29+$0x0], $0xffff  }
0x192: {  	s16 =	simm.s32 $0x8;
	v10 =	vadd.s32 s10, v0;
	v11 =	vadd.s32 s15, v0;
	v5 =	vadd.s32 s28, v0;
	v26 =	vld.idx.msk [tilespmem:v13+s29+$0x0], $0xffff  }
0x193: {  	v9 =	vand.u32 $0x3F, v9;
	v10 =	vand.u32 $0x3F, v10;
	v7 =	vadd.s32 s16, v0;
	v28 =	vld.idx.msk [tilespmem:v15+s29+$0x0], $0xffff;
	[tilespmem:v21+s31+$0x0] =	vst.idx.msk $0xffff, v20  }
0x194: {  	v11 =	vand.u32 $0x3F, v11;
	v6 =	vand.u32 $0x3F, v7;
	v19 =	vld.idx.msk [tilespmem:v19+s29+$0x0], $0xffff;
	v20 =	vor.u32 v16, v3;
	[tilespmem:v24+s31+$0x0] =	vst.idx.msk $0xffff, v22  }
0x195: {  	v5 =	vand.u32 $0x3F, v5;
	v13 =	vor.u32 v17, v3;
	v7 =	vshll.u32 v6, $0x7;
	[tilespmem:v14+s31+$0x0] =	vst.idx.msk $0xffff, v18;
	v14 =	vld.idx.msk [tilespmem:v23+s29+$0x0], $0xffff  }
0x196: {  	v17 =	vshll.u32 v11, $0x7;
	v8 =	vadd.s32 v4, v7;
	v7 =	vshll.u32 v5, $0x7;
	[tilespmem:v25+s31+$0x0] =	vst.idx.msk $0xffff, v12  }
0x197: {  	s16 =	simm.s32 $0xB;
	v17 =	vadd.s32 v4, v17;
	v7 =	vadd.s32 v4, v7;
	v12 =	vshll.u32 v9, $0x7;
	[tilespmem:v27+s31+$0x0] =	vst.idx.msk $0xffff, v26  }
0x198: {  	s28 =	simm.s32 $0xA;
	v16 =	vshll.u32 v10, $0x7;
	[tilespmem:v29+s31+$0x0] =	vst.idx.msk $0xffff, v28;
	v15 =	vadd.s32 v4, v12;
	v12 =	vadd.s32 s16, v0  }
0x199: {  	s8 =	simm.s32 $0x10;
	s15 =	simm.s32 $0x9;
	v16 =	vadd.s32 v4, v16;
	v18 =	vadd.s32 s28, v0;
	v12 =	vand.u32 $0x3F, v12;
	[tilespmem:v20+s31+$0x0] =	vst.idx.msk $0xffff, v19  }
.LBB2_26:
0x19a: {  	p1 =	slt.u32 s8, $0x38;
	v19 =	vadd.s32 s15, v0;
	v18 =	vand.u32 $0x3F, v18;
	v20 =	vshll.u32 v12, $0x7;
	[tilespmem:v13+s31+$0x0] =	vst.idx.msk $0xffff, v14  }
0x19b: {  	v13 =	vld.idx.msk [tilespmem:v8+s29+$0x0], $0xffff;
	v19 =	vand.u32 $0x3F, v19;
	v8 =	vshll.u32 v18, $0x7;
	v14 =	vadd.s32 v4, v20  }
0x19c: {  	v20 =	vor.u32 v6, v3;
	v6 =	vshll.u32 v19, $0x7;
	v21 =	vadd.s32 v4, v8;
	v22 =	vld.idx.msk [tilespmem:v7+s29+$0x0], $0xffff  }
0x19d: {  	s9 =	sadd.s32 $0x7, s8;
	v24 =	vor.u32 v5, v3;
	v7 =	vadd.s32 s8, v0;
	v23 =	vadd.s32 v4, v6;
	v15 =	vld.idx.msk [tilespmem:v15+s29+$0x0], $0xffff  }
0x19e: {  	v25 =	vor.u32 v9, v3;
	v5 =	vadd.s32 s9, v0;
	v6 =	vand.u32 $0x3F, v7;
	v16 =	vld.idx.msk [tilespmem:v16+s29+$0x0], $0xffff  }
0x19f: {  	v26 =	vor.u32 v10, v3;
	v5 =	vand.u32 $0x3F, v5;
	v7 =	vshll.u32 v6, $0x7;
	v17 =	vld.idx.msk [tilespmem:v17+s29+$0x0], $0xffff  }
0x1a0: {  	v28 =	vor.u32 v11, v3;
	v8 =	vadd.s32 v4, v7;
	v7 =	vshll.u32 v5, $0x7;
	v27 =	vld.idx.msk [tilespmem:v14+s29+$0x0], $0xffff  }
0x1a1: {  	v12 =	vor.u32 v12, v3;
	s9 =	sadd.s32 $0x6, s8;
	v7 =	vadd.s32 v4, v7;
	[tilespmem:v20+s31+$0x0] =	vst.idx.msk $0xffff, v13;
	v20 =	vld.idx.msk [tilespmem:v21+s29+$0x0], $0xffff  }
0x1a2: {  	s10 =	sadd.s32 $0x5, s8;
	v9 =	vadd.s32 s9, v0;
	v21 =	vor.u32 v18, v3;
	v14 =	vld.idx.msk [tilespmem:v23+s29+$0x0], $0xffff;
	[tilespmem:v24+s31+$0x0] =	vst.idx.msk $0xffff, v22  }
.Ltmp14:
0x1a3: {  	v10 =	vadd.s32 s10, v0;
	s9 =	sadd.s32 $0x4, s8;
	v9 =	vand.u32 $0x3F, v9;
	v13 =	vor.u32 v19, v3;
	[tilespmem:v25+s31+$0x0] =	vst.idx.msk $0xffff, v15;
	(pc) =	sbr.rel @p1 .LBB2_26-.Ltmp14, $4  }
0x1a4: {  	v10 =	vand.u32 $0x3F, v10;
	v11 =	vadd.s32 s9, v0;
	v15 =	vshll.u32 v9, $0x7;
	[tilespmem:v26+s31+$0x0] =	vst.idx.msk $0xffff, v16  }
0x1a5: {  	s9 =	sadd.s32 $0x3, s8;
	v11 =	vand.u32 $0x3F, v11;
	v16 =	vshll.u32 v10, $0x7;
	v15 =	vadd.s32 v4, v15;
	[tilespmem:v28+s31+$0x0] =	vst.idx.msk $0xffff, v17  }
0x1a6: {  	s10 =	sadd.s32 $0x2, s8;
	v19 =	vshll.u32 v11, $0x7;
	v17 =	vadd.s32 s9, v0;
	v16 =	vadd.s32 v4, v16;
	[tilespmem:v12+s31+$0x0] =	vst.idx.msk $0xffff, v27  }
0x1a7: {  	s15 =	sadd.s32 $0x1, s8;
	s8 =	sadd.s32 $0x8, s8;
	v18 =	vadd.s32 s10, v0;
	v12 =	vand.u32 $0x3F, v17;
	v17 =	vadd.s32 v4, v19;
	[tilespmem:v21+s31+$0x0] =	vst.idx.msk $0xffff, v20  }
0x1a8: {  	_ =	sdelay $0x1  }
0x1a9: {  	v19 =	vadd.s32 s15, v0  }
0x1aa: {  	v18 =	vand.u32 $0x3F, v18;
	v20 =	vshll.u32 v12, $0x7;
	v6 =	vor.u32 v6, v3  }
0x1ab: {  	v8 =	vld.idx.msk [tilespmem:v8+s29+$0x0], $0xffff;
	v19 =	vand.u32 $0x3F, v19;
	v21 =	vshll.u32 v18, $0x7;
	v20 =	vadd.s32 v4, v20  }
0x1ac: {  	v7 =	vld.idx.msk [tilespmem:v7+s29+$0x0], $0xffff;
	v5 =	vor.u32 v5, v3;
	v22 =	vshll.u32 v19, $0x7;
	v21 =	vadd.s32 v4, v21  }
0x1ad: {  	v15 =	vld.idx.msk [tilespmem:v15+s29+$0x0], $0xffff;
	v9 =	vor.u32 v9, v3;
	v58 =	vadd.s32 v4, v22  }
0x1ae: {  	v16 =	vld.idx.msk [tilespmem:v16+s29+$0x0], $0xffff;
	v10 =	vor.u32 v10, v3  }
0x1af: {  	[tilespmem:v13+s31+$0x0] =	vst.idx.msk $0xffff, v14;
	v59 =	vld.idx.msk [tilespmem:v17+s29+$0x0], $0xffff;
	v11 =	vor.u32 v11, v3  }
0x1b0: {  	v61 =	vor.u32 v12, v3;
	[tilespmem:v6+s31+$0x0] =	vst.idx.msk $0xffff, v8;
	v60 =	vld.idx.msk [tilespmem:v20+s29+$0x0], $0xffff  }
0x1b1: {  	s7 =	sadd.s32 $0x1, s7;
	v63 =	vor.u32 v18, v3;
	[tilespmem:v5+s31+$0x0] =	vst.idx.msk $0xffff, v7;
	v62 =	vld.idx.msk [tilespmem:v21+s29+$0x0], $0xffff  }
0x1b2: {  	p1 =	sne.s32 s7, $0x4;
	v3 =	vor.u32 v19, v3;
	[tilespmem:v9+s31+$0x0] =	vst.idx.msk $0xffff, v15;
	v4 =	vld.idx.msk [tilespmem:v58+s29+$0x0], $0xffff  }
.Ltmp15:
0x1b3: {  	[tilespmem:v10+s31+$0x0] =	vst.idx.msk $0xffff, v16;
	(pc) =	sbr.rel @p1 .LBB2_25-.Ltmp15, $4  }
0x1b4: {  	[tilespmem:v11+s31+$0x0] =	vst.idx.msk $0xffff, v59  }
0x1b5: {  	[tilespmem:v61+s31+$0x0] =	vst.idx.msk $0xffff, v60  }
0x1b6: {  	[tilespmem:v63+s31+$0x0] =	vst.idx.msk $0xffff, v62  }
0x1b7: {  	[tilespmem:v3+s31+$0x0] =	vst.idx.msk $0xffff, v4  }
.Ltmp16:
0x1b8: {  	s1 =	rddreg [dreg:$0x8];
	(pc) =	sbr.rel .LBB2_29-.Ltmp16, $4  }
0x1b9: {  	[hbm4b:s1+s4] =	stream.linear.scatter [tilespmem:s31], [sflag:$0x5], $0x1000, $0x38;
	[tilespmem:$0x13000] =	vst v63  }
0x1ba: {  	_ =	swait.ge [sflag:s30], $0x1000  }
0x1bb: {  	[sflag:s30] =	ssyncset.done $0x0  }
0x1bc: {  	[sflag:s30] =	ssyncadd.s32 $0xFFFFF000  }
.LBB2_30:
0x1bd: {  	_ =	sfence.sel $0x180000  }
0x1be: {  	[bflag:$0x0] =	sbarrier.arrive $0xFFFF  }
0x1bf: {  	_ =	strace $0x90000047  }
0x1c0: {  	s0 =	stileid.u32;
	[bflag:$0x2] =	sbarrier.arrive $0xFFFF  }
0x1c1: {  	p0 =	sne.s32 s0, $0x0;
	s0 =	rddreg [dreg:$0x2]  }
0x1c2: {  	s0 =	sadd.s32 @!p0 $0x100000, s0  }
0x1c3: {  	[sflag:s0] =	ssyncadd.tile.s32 @!p0 $0x1;
	_ =	shalt  }
.Lfunc_end2:
_tile_overlayer_lowered:
.L_overlay_start_2:
0x1c4: {  	(tag) =	ssettag $0x2  }
0x1c5: {  	s0 =	rddreg [dreg:$0x0];
	s2 =	stileid.u32  }
0x1c6: {  	s1 =	rddreg [dreg:$0x1];
	p0 =	sne.s32 s2, $0x0  }
0x1c7: {  	s3 =	rddreg [dreg:$0x2];
	[bflag:$0x3] =	sbarrier.arrive $0xFFFF;
	s2 =	simm.s32 @!p0 $0x1C05  }
0x1c8: {  	[timem:s3], [sflag:s2] =	dma.local @!p0 [hbm:s0], s1  }
0x1c9: {  	s0 =	simm.s32 @!p0 $0x5  }
0x1ca: {  	_ =	swait.ge @!p0 [sflag:s0], s1  }
0x1cb: {  	s1 =	ssub.s32 @!p0 $0x0, s1;
	[sflag:s0] =	ssyncset.done @!p0 $0x0  }
0x1cc: {  	[sflag:s0] =	ssyncadd.s32 @!p0 s1  }
0x1cd: {  	[bflag:$0x3] =	sbarrier.arrive $0xFFFF  }
0x1ce: {  	_ =	shalt  }

</sc_bundles>
